<compile_context>
chip_gen: v7x
topology: tpu7x:2x2x1
jax: 0.10.2.dev20260603
libtpu: 0.0.44.dev20260713+nightly
codegen_flags: <defaults>
</compile_context>

<pallas_src>
import functools

import jax
import jax.numpy as jnp
from jax import lax
from jax.experimental import pallas as pl
from jax.experimental.pallas import tpu as pltpu
from jax.experimental.pallas import tpu_sc as plsc

M, D = 16384, 2048
NC, NS = 2, 16
NW = NC * NS
ROWS_PER_W = M // NW
CHUNK = 8
NCHUNKS = ROWS_PER_W // CHUNK
NBUF = 7
G = 5

_mesh = plsc.VectorSubcoreMesh(
    core_axis_name="c", subcore_axis_name="s", num_cores=NC, num_subcores=NS
)


@functools.partial(
    pl.kernel,
    out_type=jax.ShapeDtypeStruct((M, D), jnp.float32),
    mesh=_mesh,
    scratch_types=[
        pltpu.VMEM((ROWS_PER_W,), jnp.int32),
        pltpu.VMEM((NBUF, CHUNK, D), jnp.float32),
    ] + [pltpu.SemaphoreType.DMA] * (2 * NBUF),
)
def _gather_rows(idx_hbm, table_hbm, out_hbm, idx_v, rows_v, *sems):
    gsems = sems[:NBUF]
    wsems = sems[NBUF:]
    wid = lax.axis_index("s") * NC + lax.axis_index("c")
    base = wid * ROWS_PER_W

    pltpu.sync_copy(idx_hbm.at[pl.ds(base, ROWS_PER_W)], idx_v)

    def start_gather(c, b):
        pltpu.async_copy(
            table_hbm.at[idx_v.at[pl.ds(c * CHUNK, CHUNK)]],
            rows_v.at[b],
            gsems[b],
        )

    def wait_gather(b):
        pltpu.make_async_copy(
            table_hbm.at[pl.ds(0, CHUNK)], rows_v.at[b], gsems[b]
        ).wait()

    def start_write(c, b):
        pltpu.async_copy(
            rows_v.at[b], out_hbm.at[pl.ds(base + c * CHUNK, CHUNK)], wsems[b]
        )

    def wait_write(b):
        pltpu.make_async_copy(
            rows_v.at[b], out_hbm.at[pl.ds(0, CHUNK)], wsems[b]
        ).wait()

    def step(c, b):
        bn = (b + G) % NBUF
        wait_gather(b)

        @pl.when(c >= NBUF - G)
        def _():
            wait_write(bn)

        @pl.when(c + G < NCHUNKS)
        def _():
            start_gather(c + G, bn)

        start_write(c, b)

    for c in range(G):
        start_gather(c, c)

    _MAIN = (NCHUNKS // NBUF) * NBUF

    @pl.loop(0, _MAIN, step=NBUF)
    def _(c0):
        for i in range(NBUF):
            step(c0 + i, i)

    for c in range(_MAIN, NCHUNKS):
        step(c, c % NBUF)

    for c in range(max(NCHUNKS - (NBUF - G), 0), NCHUNKS):
        wait_write(c % NBUF)


def kernel(indices, state):
    return _gather_rows(indices, state)

# --- scband reference (transcript-rebuilt; emitter-appended) ---
"""Pipeline reference for scband-sort-state-by-index-41609643163899 (READ-ONLY COPY).

The authoritative reference and input builder live on the scoring server;
editing this copy changes nothing except your own understanding.
"""

import jax, jax.numpy as jnp
import numpy as np


def setup_inputs(seed: int = 0) -> dict:
    key = jax.random.key(seed)
    k1, k2 = jax.random.split(key)
    M, D = 16384, 2048
    state = jax.random.normal(k1, (M, D), dtype=jnp.float32)
    indices = jax.random.randint(k2, (M,), 0, M, dtype=jnp.int32)
    return {"indices": indices, "state": state}


def reference(indices, state):
    # SortStateByIndex: state[key] = state[key][indices.long()] for each state tensor.
    # Here the state dict has a single tensor; the op is a row gather (reorder).
    return jnp.take(state, indices, axis=0)

if __name__ == "__main__":
    import jax
    _d = setup_inputs()
    print(jax.jit(kernel)(*tuple(_d.values())))

</pallas_src>

<mosaic_0001>
#map = affine_map<(d0, d1) -> (0)>
#map1 = affine_map<(d0, d1) -> (0, 0)>
module attributes {stable_mosaic.version = 14 : i64} {
  func.func @_gather_rows(%arg0: i32, %arg1: i32, %arg2: memref<16384xi32, #tpu.memory_space<hbm>>, %arg3: memref<16384x2048xf32, #tpu.memory_space<hbm>>, %arg4: memref<16384x2048xf32, #tpu.memory_space<hbm>>, %arg5: memref<512xi32, #tpu.memory_space<vmem>>, %arg6: memref<7x8x2048xf32, #tpu.memory_space<vmem>>, %arg7: memref<!tpu.dma_semaphore, #tpu.memory_space<semaphore_mem>>, %arg8: memref<!tpu.dma_semaphore, #tpu.memory_space<semaphore_mem>>, %arg9: memref<!tpu.dma_semaphore, #tpu.memory_space<semaphore_mem>>, %arg10: memref<!tpu.dma_semaphore, #tpu.memory_space<semaphore_mem>>, %arg11: memref<!tpu.dma_semaphore, #tpu.memory_space<semaphore_mem>>, %arg12: memref<!tpu.dma_semaphore, #tpu.memory_space<semaphore_mem>>, %arg13: memref<!tpu.dma_semaphore, #tpu.memory_space<semaphore_mem>>, %arg14: memref<!tpu.dma_semaphore, #tpu.memory_space<semaphore_mem>>, %arg15: memref<!tpu.dma_semaphore, #tpu.memory_space<semaphore_mem>>, %arg16: memref<!tpu.dma_semaphore, #tpu.memory_space<semaphore_mem>>, %arg17: memref<!tpu.dma_semaphore, #tpu.memory_space<semaphore_mem>>, %arg18: memref<!tpu.dma_semaphore, #tpu.memory_space<semaphore_mem>>, %arg19: memref<!tpu.dma_semaphore, #tpu.memory_space<semaphore_mem>>, %arg20: memref<!tpu.dma_semaphore, #tpu.memory_space<semaphore_mem>>) attributes {dimension_semantics = [#tpu.dimension_semantics<core_parallel>, #tpu.dimension_semantics<subcore_parallel>], iteration_bounds = array<i64: 2, 16>, scalar_prefetch = 0 : i64, scratch_operands = 16 : i64, tpu.core_type = #tpu.core_type<sc_vector_subcore>, window_params = [{transform_indices = #map}, {transform_indices = #map1}, {transform_indices = #map1}]} {
    %mul3A = arith.constant 2 : i32
    %mul3A_0 = arith.muli %arg1, %mul3A : i32
    %add3A = arith.addi %mul3A_0, %arg0 : i32
    %mul3A_1 = arith.constant 512 : i32
    %mul3A_2 = arith.muli %add3A, %mul3A_1 : i32
    "tpu.region"() ({
      %run_scoped3A = tpu.sem_alloc : memref<!tpu.dma_semaphore, #tpu.memory_space<semaphore_mem>>
      %dma_start3A_130 = tpu.memref_slice %arg2[%mul3A_2] : memref<16384xi32, #tpu.memory_space<hbm>> -> memref<512xi32, #tpu.memory_space<hbm>>
      %dma_start3A_131 = tpu.memref_slice %arg2[%mul3A_2] : memref<16384xi32, #tpu.memory_space<hbm>> -> memref<512xi32, #tpu.memory_space<hbm>>
      tpu.enqueue_dma source(%dma_start3A_131 : memref<512xi32, #tpu.memory_space<hbm>>) target(%arg5 : memref<512xi32, #tpu.memory_space<vmem>>) target_semaphore(%run_scoped3A : memref<!tpu.dma_semaphore, #tpu.memory_space<semaphore_mem>>)
      %dma_wait3A_132 = tpu.memref_slice %arg2[%mul3A_2] : memref<16384xi32, #tpu.memory_space<hbm>> -> memref<512xi32, #tpu.memory_space<hbm>>
      %dma_wait3A_133 = tpu.memref_slice %arg2[%mul3A_2] : memref<16384xi32, #tpu.memory_space<hbm>> -> memref<512xi32, #tpu.memory_space<hbm>>
      tpu.wait_dma2 semaphore(%run_scoped3A : memref<!tpu.dma_semaphore, #tpu.memory_space<semaphore_mem>>) src(%dma_wait3A_133 : memref<512xi32, #tpu.memory_space<hbm>>) dst(%arg5 : memref<512xi32, #tpu.memory_space<vmem>>)
      tpu.yield
    }) : () -> ()
    %dma_start3A = arith.constant 0 : i32
    %dma_start3A_3 = arith.constant 0 : i32
    %dma_start3A_4 = arith.constant 0 : i32
    %dma_start3A_5 = tpu.memref_slice %arg6[%dma_start3A, %dma_start3A_3, %dma_start3A_4] : memref<7x8x2048xf32, #tpu.memory_space<vmem>> -> memref<1x8x2048xf32, #tpu.memory_space<vmem>>
    %dma_start3A_6 = tpu.memref_squeeze %dma_start3A_5 : memref<1x8x2048xf32, #tpu.memory_space<vmem>> -> memref<8x2048xf32, #tpu.memory_space<vmem>>
    %dma_start3A_7 = arith.constant 0 : i32
    %dma_start3A_8 = tpu.memref_slice %arg5[%dma_start3A_7] : memref<512xi32, #tpu.memory_space<vmem>> -> memref<8xi32, #tpu.memory_space<vmem>>
    %dma_start3A_9 = arith.constant 0 : i32
    %dma_start3A_10 = arith.constant 0 : i32
    %dma_start3A_11 = tpu.memref_slice %arg3[%dma_start3A_9, %dma_start3A_10] : memref<16384x2048xf32, #tpu.memory_space<hbm>> -> memref<16384x2048xf32, #tpu.memory_space<hbm>>
    tpu.enqueue_indirect_dma source(%dma_start3A_11 : memref<16384x2048xf32, #tpu.memory_space<hbm>>) target(%dma_start3A_6 : memref<8x2048xf32, #tpu.memory_space<vmem>>) offsets(%dma_start3A_8 : memref<8xi32, #tpu.memory_space<vmem>>) semaphore(%arg7 : memref<!tpu.dma_semaphore, #tpu.memory_space<semaphore_mem>>)
    %dma_start3A_12 = arith.constant 1 : i32
    %dma_start3A_13 = arith.constant 0 : i32
    %dma_start3A_14 = arith.constant 0 : i32
    %dma_start3A_15 = tpu.memref_slice %arg6[%dma_start3A_12, %dma_start3A_13, %dma_start3A_14] : memref<7x8x2048xf32, #tpu.memory_space<vmem>> -> memref<1x8x2048xf32, #tpu.memory_space<vmem>>
    %dma_start3A_16 = tpu.memref_squeeze %dma_start3A_15 : memref<1x8x2048xf32, #tpu.memory_space<vmem>> -> memref<8x2048xf32, #tpu.memory_space<vmem>>
    %dma_start3A_17 = arith.constant 8 : i32
    %dma_start3A_18 = tpu.memref_slice %arg5[%dma_start3A_17] : memref<512xi32, #tpu.memory_space<vmem>> -> memref<8xi32, #tpu.memory_space<vmem>>
    %dma_start3A_19 = arith.constant 0 : i32
    %dma_start3A_20 = arith.constant 0 : i32
    %dma_start3A_21 = tpu.memref_slice %arg3[%dma_start3A_19, %dma_start3A_20] : memref<16384x2048xf32, #tpu.memory_space<hbm>> -> memref<16384x2048xf32, #tpu.memory_space<hbm>>
    tpu.enqueue_indirect_dma source(%dma_start3A_21 : memref<16384x2048xf32, #tpu.memory_space<hbm>>) target(%dma_start3A_16 : memref<8x2048xf32, #tpu.memory_space<vmem>>) offsets(%dma_start3A_18 : memref<8xi32, #tpu.memory_space<vmem>>) semaphore(%arg8 : memref<!tpu.dma_semaphore, #tpu.memory_space<semaphore_mem>>)
    %dma_start3A_22 = arith.constant 2 : i32
    %dma_start3A_23 = arith.constant 0 : i32
    %dma_start3A_24 = arith.constant 0 : i32
    %dma_start3A_25 = tpu.memref_slice %arg6[%dma_start3A_22, %dma_start3A_23, %dma_start3A_24] : memref<7x8x2048xf32, #tpu.memory_space<vmem>> -> memref<1x8x2048xf32, #tpu.memory_space<vmem>>
    %dma_start3A_26 = tpu.memref_squeeze %dma_start3A_25 : memref<1x8x2048xf32, #tpu.memory_space<vmem>> -> memref<8x2048xf32, #tpu.memory_space<vmem>>
    %dma_start3A_27 = arith.constant 16 : i32
    %dma_start3A_28 = tpu.memref_slice %arg5[%dma_start3A_27] : memref<512xi32, #tpu.memory_space<vmem>> -> memref<8xi32, #tpu.memory_space<vmem>>
    %dma_start3A_29 = arith.constant 0 : i32
    %dma_start3A_30 = arith.constant 0 : i32
    %dma_start3A_31 = tpu.memref_slice %arg3[%dma_start3A_29, %dma_start3A_30] : memref<16384x2048xf32, #tpu.memory_space<hbm>> -> memref<16384x2048xf32, #tpu.memory_space<hbm>>
    tpu.enqueue_indirect_dma source(%dma_start3A_31 : memref<16384x2048xf32, #tpu.memory_space<hbm>>) target(%dma_start3A_26 : memref<8x2048xf32, #tpu.memory_space<vmem>>) offsets(%dma_start3A_28 : memref<8xi32, #tpu.memory_space<vmem>>) semaphore(%arg9 : memref<!tpu.dma_semaphore, #tpu.memory_space<semaphore_mem>>)
    %dma_start3A_32 = arith.constant 3 : i32
    %dma_start3A_33 = arith.constant 0 : i32
    %dma_start3A_34 = arith.constant 0 : i32
    %dma_start3A_35 = tpu.memref_slice %arg6[%dma_start3A_32, %dma_start3A_33, %dma_start3A_34] : memref<7x8x2048xf32, #tpu.memory_space<vmem>> -> memref<1x8x2048xf32, #tpu.memory_space<vmem>>
    %dma_start3A_36 = tpu.memref_squeeze %dma_start3A_35 : memref<1x8x2048xf32, #tpu.memory_space<vmem>> -> memref<8x2048xf32, #tpu.memory_space<vmem>>
    %dma_start3A_37 = arith.constant 24 : i32
    %dma_start3A_38 = tpu.memref_slice %arg5[%dma_start3A_37] : memref<512xi32, #tpu.memory_space<vmem>> -> memref<8xi32, #tpu.memory_space<vmem>>
    %dma_start3A_39 = arith.constant 0 : i32
    %dma_start3A_40 = arith.constant 0 : i32
    %dma_start3A_41 = tpu.memref_slice %arg3[%dma_start3A_39, %dma_start3A_40] : memref<16384x2048xf32, #tpu.memory_space<hbm>> -> memref<16384x2048xf32, #tpu.memory_space<hbm>>
    tpu.enqueue_indirect_dma source(%dma_start3A_41 : memref<16384x2048xf32, #tpu.memory_space<hbm>>) target(%dma_start3A_36 : memref<8x2048xf32, #tpu.memory_space<vmem>>) offsets(%dma_start3A_38 : memref<8xi32, #tpu.memory_space<vmem>>) semaphore(%arg10 : memref<!tpu.dma_semaphore, #tpu.memory_space<semaphore_mem>>)
    %dma_start3A_42 = arith.constant 4 : i32
    %dma_start3A_43 = arith.constant 0 : i32
    %dma_start3A_44 = arith.constant 0 : i32
    %dma_start3A_45 = tpu.memref_slice %arg6[%dma_start3A_42, %dma_start3A_43, %dma_start3A_44] : memref<7x8x2048xf32, #tpu.memory_space<vmem>> -> memref<1x8x2048xf32, #tpu.memory_space<vmem>>
    %dma_start3A_46 = tpu.memref_squeeze %dma_start3A_45 : memref<1x8x2048xf32, #tpu.memory_space<vmem>> -> memref<8x2048xf32, #tpu.memory_space<vmem>>
    %dma_start3A_47 = arith.constant 32 : i32
    %dma_start3A_48 = tpu.memref_slice %arg5[%dma_start3A_47] : memref<512xi32, #tpu.memory_space<vmem>> -> memref<8xi32, #tpu.memory_space<vmem>>
    %dma_start3A_49 = arith.constant 0 : i32
    %dma_start3A_50 = arith.constant 0 : i32
    %dma_start3A_51 = tpu.memref_slice %arg3[%dma_start3A_49, %dma_start3A_50] : memref<16384x2048xf32, #tpu.memory_space<hbm>> -> memref<16384x2048xf32, #tpu.memory_space<hbm>>
    tpu.enqueue_indirect_dma source(%dma_start3A_51 : memref<16384x2048xf32, #tpu.memory_space<hbm>>) target(%dma_start3A_46 : memref<8x2048xf32, #tpu.memory_space<vmem>>) offsets(%dma_start3A_48 : memref<8xi32, #tpu.memory_space<vmem>>) semaphore(%arg11 : memref<!tpu.dma_semaphore, #tpu.memory_space<semaphore_mem>>)
    %scan3A = arith.constant 0 : i32
    %scan3A_52 = arith.constant 9 : i32
    %scan3A_53 = arith.addi %scan3A, %scan3A_52 : i32
    %scan3A_54 = arith.constant 1 : i32
    scf.for %scan3A_130 = %scan3A to %scan3A_53 step %scan3A_54  : i32 {
      %mul3A_131 = arith.constant 7 : i32
      %mul3A_132 = arith.muli %scan3A_130, %mul3A_131 : i32
      %add3A_133 = arith.constant 0 : i32
      %add3A_134 = arith.addi %add3A_133, %mul3A_132 : i32
      %add3A_135 = arith.constant 0 : i32
      %add3A_136 = arith.addi %add3A_134, %add3A_135 : i32
      %dma_wait3A_137 = arith.constant 0 : i32
      %dma_wait3A_138 = arith.constant 0 : i32
      %dma_wait3A_139 = arith.constant 0 : i32
      %dma_wait3A_140 = tpu.memref_slice %arg6[%dma_wait3A_137, %dma_wait3A_138, %dma_wait3A_139] : memref<7x8x2048xf32, #tpu.memory_space<vmem>> -> memref<1x8x2048xf32, #tpu.memory_space<vmem>>
      %dma_wait3A_141 = tpu.memref_squeeze %dma_wait3A_140 : memref<1x8x2048xf32, #tpu.memory_space<vmem>> -> memref<8x2048xf32, #tpu.memory_space<vmem>>
      %dma_wait3A_142 = arith.constant 0 : i32
      %dma_wait3A_143 = arith.constant 0 : i32
      %dma_wait3A_144 = tpu.memref_slice %arg3[%dma_wait3A_142, %dma_wait3A_143] : memref<16384x2048xf32, #tpu.memory_space<hbm>> -> memref<8x2048xf32, #tpu.memory_space<hbm>>
      %dma_wait3A_145 = arith.constant 0 : i32
      %dma_wait3A_146 = arith.constant 0 : i32
      %dma_wait3A_147 = tpu.memref_slice %arg6[%dma_wait3A_137, %dma_wait3A_145, %dma_wait3A_146] : memref<7x8x2048xf32, #tpu.memory_space<vmem>> -> memref<1x8x2048xf32, #tpu.memory_space<vmem>>
      %dma_wait3A_148 = tpu.memref_squeeze %dma_wait3A_147 : memref<1x8x2048xf32, #tpu.memory_space<vmem>> -> memref<8x2048xf32, #tpu.memory_space<vmem>>
      %dma_wait3A_149 = arith.constant 0 : i32
      %dma_wait3A_150 = arith.constant 0 : i32
      %dma_wait3A_151 = tpu.memref_slice %arg3[%dma_wait3A_149, %dma_wait3A_150] : memref<16384x2048xf32, #tpu.memory_space<hbm>> -> memref<8x2048xf32, #tpu.memory_space<hbm>>
      tpu.wait_dma2 semaphore(%arg7 : memref<!tpu.dma_semaphore, #tpu.memory_space<semaphore_mem>>) src(%dma_wait3A_151 : memref<8x2048xf32, #tpu.memory_space<hbm>>) dst(%dma_wait3A_148 : memref<8x2048xf32, #tpu.memory_space<vmem>>)
      %ge3A = arith.constant 2 : i32
      %ge3A_152 = arith.cmpi sge, %add3A_136, %ge3A : i32
      %convert_element_type3A = arith.extui %ge3A_152 : i1 to i32
      %cond3A = arith.constant 0 : i32
      %cond3A_153 = arith.cmpi ne, %convert_element_type3A, %cond3A : i32
      scf.if %cond3A_153 {
        %dma_wait3A_446 = arith.constant 5 : i32
        %dma_wait3A_447 = arith.constant 0 : i32
        %dma_wait3A_448 = arith.constant 0 : i32
        %dma_wait3A_449 = tpu.memref_slice %arg6[%dma_wait3A_446, %dma_wait3A_447, %dma_wait3A_448] : memref<7x8x2048xf32, #tpu.memory_space<vmem>> -> memref<1x8x2048xf32, #tpu.memory_space<vmem>>
        %dma_wait3A_450 = tpu.memref_squeeze %dma_wait3A_449 : memref<1x8x2048xf32, #tpu.memory_space<vmem>> -> memref<8x2048xf32, #tpu.memory_space<vmem>>
        %dma_wait3A_451 = arith.constant 0 : i32
        %dma_wait3A_452 = arith.constant 0 : i32
        %dma_wait3A_453 = tpu.memref_slice %arg4[%dma_wait3A_451, %dma_wait3A_452] : memref<16384x2048xf32, #tpu.memory_space<hbm>> -> memref<8x2048xf32, #tpu.memory_space<hbm>>
        %dma_wait3A_454 = arith.constant 0 : i32
        %dma_wait3A_455 = arith.constant 0 : i32
        %dma_wait3A_456 = tpu.memref_slice %arg4[%dma_wait3A_454, %dma_wait3A_455] : memref<16384x2048xf32, #tpu.memory_space<hbm>> -> memref<8x2048xf32, #tpu.memory_space<hbm>>
        %dma_wait3A_457 = arith.constant 0 : i32
        %dma_wait3A_458 = arith.constant 0 : i32
        %dma_wait3A_459 = tpu.memref_slice %arg6[%dma_wait3A_446, %dma_wait3A_457, %dma_wait3A_458] : memref<7x8x2048xf32, #tpu.memory_space<vmem>> -> memref<1x8x2048xf32, #tpu.memory_space<vmem>>
        %dma_wait3A_460 = tpu.memref_squeeze %dma_wait3A_459 : memref<1x8x2048xf32, #tpu.memory_space<vmem>> -> memref<8x2048xf32, #tpu.memory_space<vmem>>
        tpu.wait_dma2 semaphore(%arg19 : memref<!tpu.dma_semaphore, #tpu.memory_space<semaphore_mem>>) src(%dma_wait3A_460 : memref<8x2048xf32, #tpu.memory_space<vmem>>) dst(%dma_wait3A_456 : memref<8x2048xf32, #tpu.memory_space<hbm>>)
      } else {
      }
      %add3A_154 = arith.constant 5 : i32
      %add3A_155 = arith.addi %add3A_136, %add3A_154 : i32
      %lt3A = arith.constant 64 : i32
      %lt3A_156 = arith.cmpi slt, %add3A_155, %lt3A : i32
      %convert_element_type3A_157 = arith.extui %lt3A_156 : i1 to i32
      %cond3A_158 = arith.constant 0 : i32
      %cond3A_159 = arith.cmpi ne, %convert_element_type3A_157, %cond3A_158 : i32
      scf.if %cond3A_159 {
        %add3A_446 = arith.constant 5 : i32
        %add3A_447 = arith.addi %add3A_136, %add3A_446 : i32
        %mul3A_448 = arith.constant 8 : i32
        %mul3A_449 = arith.muli %add3A_447, %mul3A_448 : i32
        %dma_start3A_450 = arith.constant 5 : i32
        %dma_start3A_451 = arith.constant 0 : i32
        %dma_start3A_452 = arith.constant 0 : i32
        %dma_start3A_453 = tpu.memref_slice %arg6[%dma_start3A_450, %dma_start3A_451, %dma_start3A_452] : memref<7x8x2048xf32, #tpu.memory_space<vmem>> -> memref<1x8x2048xf32, #tpu.memory_space<vmem>>
        %dma_start3A_454 = tpu.memref_squeeze %dma_start3A_453 : memref<1x8x2048xf32, #tpu.memory_space<vmem>> -> memref<8x2048xf32, #tpu.memory_space<vmem>>
        %dma_start3A_455 = tpu.memref_slice %arg5[%mul3A_449] : memref<512xi32, #tpu.memory_space<vmem>> -> memref<8xi32, #tpu.memory_space<vmem>>
        %dma_start3A_456 = arith.constant 0 : i32
        %dma_start3A_457 = arith.constant 0 : i32
        %dma_start3A_458 = tpu.memref_slice %arg3[%dma_start3A_456, %dma_start3A_457] : memref<16384x2048xf32, #tpu.memory_space<hbm>> -> memref<16384x2048xf32, #tpu.memory_space<hbm>>
        tpu.enqueue_indirect_dma source(%dma_start3A_458 : memref<16384x2048xf32, #tpu.memory_space<hbm>>) target(%dma_start3A_454 : memref<8x2048xf32, #tpu.memory_space<vmem>>) offsets(%dma_start3A_455 : memref<8xi32, #tpu.memory_space<vmem>>) semaphore(%arg12 : memref<!tpu.dma_semaphore, #tpu.memory_space<semaphore_mem>>)
      } else {
      }
      %mul3A_160 = arith.constant 8 : i32
      %mul3A_161 = arith.muli %add3A_136, %mul3A_160 : i32
      %add3A_162 = arith.addi %mul3A_2, %mul3A_161 : i32
      %dma_start3A_163 = arith.constant 0 : i32
      %dma_start3A_164 = arith.constant 0 : i32
      %dma_start3A_165 = arith.constant 0 : i32
      %dma_start3A_166 = tpu.memref_slice %arg6[%dma_start3A_163, %dma_start3A_164, %dma_start3A_165] : memref<7x8x2048xf32, #tpu.memory_space<vmem>> -> memref<1x8x2048xf32, #tpu.memory_space<vmem>>
      %dma_start3A_167 = tpu.memref_squeeze %dma_start3A_166 : memref<1x8x2048xf32, #tpu.memory_space<vmem>> -> memref<8x2048xf32, #tpu.memory_space<vmem>>
      %dma_start3A_168 = arith.constant 0 : i32
      %dma_start3A_169 = tpu.memref_slice %arg4[%add3A_162, %dma_start3A_168] : memref<16384x2048xf32, #tpu.memory_space<hbm>> -> memref<8x2048xf32, #tpu.memory_space<hbm>>
      %dma_start3A_170 = arith.constant 0 : i32
      %dma_start3A_171 = tpu.memref_slice %arg4[%add3A_162, %dma_start3A_170] : memref<16384x2048xf32, #tpu.memory_space<hbm>> -> memref<8x2048xf32, #tpu.memory_space<hbm>>
      %dma_start3A_172 = arith.constant 0 : i32
      %dma_start3A_173 = arith.constant 0 : i32
      %dma_start3A_174 = tpu.memref_slice %arg6[%dma_start3A_163, %dma_start3A_172, %dma_start3A_173] : memref<7x8x2048xf32, #tpu.memory_space<vmem>> -> memref<1x8x2048xf32, #tpu.memory_space<vmem>>
      %dma_start3A_175 = tpu.memref_squeeze %dma_start3A_174 : memref<1x8x2048xf32, #tpu.memory_space<vmem>> -> memref<8x2048xf32, #tpu.memory_space<vmem>>
      tpu.enqueue_dma source(%dma_start3A_175 : memref<8x2048xf32, #tpu.memory_space<vmem>>) target(%dma_start3A_171 : memref<8x2048xf32, #tpu.memory_space<hbm>>) target_semaphore(%arg14 : memref<!tpu.dma_semaphore, #tpu.memory_space<semaphore_mem>>)
      %add3A_176 = arith.constant 1 : i32
      %add3A_177 = arith.addi %add3A_134, %add3A_176 : i32
      %dma_wait3A_178 = arith.constant 1 : i32
      %dma_wait3A_179 = arith.constant 0 : i32
      %dma_wait3A_180 = arith.constant 0 : i32
      %dma_wait3A_181 = tpu.memref_slice %arg6[%dma_wait3A_178, %dma_wait3A_179, %dma_wait3A_180] : memref<7x8x2048xf32, #tpu.memory_space<vmem>> -> memref<1x8x2048xf32, #tpu.memory_space<vmem>>
      %dma_wait3A_182 = tpu.memref_squeeze %dma_wait3A_181 : memref<1x8x2048xf32, #tpu.memory_space<vmem>> -> memref<8x2048xf32, #tpu.memory_space<vmem>>
      %dma_wait3A_183 = arith.constant 0 : i32
      %dma_wait3A_184 = arith.constant 0 : i32
      %dma_wait3A_185 = tpu.memref_slice %arg3[%dma_wait3A_183, %dma_wait3A_184] : memref<16384x2048xf32, #tpu.memory_space<hbm>> -> memref<8x2048xf32, #tpu.memory_space<hbm>>
      %dma_wait3A_186 = arith.constant 0 : i32
      %dma_wait3A_187 = arith.constant 0 : i32
      %dma_wait3A_188 = tpu.memref_slice %arg6[%dma_wait3A_178, %dma_wait3A_186, %dma_wait3A_187] : memref<7x8x2048xf32, #tpu.memory_space<vmem>> -> memref<1x8x2048xf32, #tpu.memory_space<vmem>>
      %dma_wait3A_189 = tpu.memref_squeeze %dma_wait3A_188 : memref<1x8x2048xf32, #tpu.memory_space<vmem>> -> memref<8x2048xf32, #tpu.memory_space<vmem>>
      %dma_wait3A_190 = arith.constant 0 : i32
      %dma_wait3A_191 = arith.constant 0 : i32
      %dma_wait3A_192 = tpu.memref_slice %arg3[%dma_wait3A_190, %dma_wait3A_191] : memref<16384x2048xf32, #tpu.memory_space<hbm>> -> memref<8x2048xf32, #tpu.memory_space<hbm>>
      tpu.wait_dma2 semaphore(%arg8 : memref<!tpu.dma_semaphore, #tpu.memory_space<semaphore_mem>>) src(%dma_wait3A_192 : memref<8x2048xf32, #tpu.memory_space<hbm>>) dst(%dma_wait3A_189 : memref<8x2048xf32, #tpu.memory_space<vmem>>)
      %ge3A_193 = arith.constant 2 : i32
      %ge3A_194 = arith.cmpi sge, %add3A_177, %ge3A_193 : i32
      %convert_element_type3A_195 = arith.extui %ge3A_194 : i1 to i32
      %cond3A_196 = arith.constant 0 : i32
      %cond3A_197 = arith.cmpi ne, %convert_element_type3A_195, %cond3A_196 : i32
      scf.if %cond3A_197 {
        %dma_wait3A_446 = arith.constant 6 : i32
        %dma_wait3A_447 = arith.constant 0 : i32
        %dma_wait3A_448 = arith.constant 0 : i32
        %dma_wait3A_449 = tpu.memref_slice %arg6[%dma_wait3A_446, %dma_wait3A_447, %dma_wait3A_448] : memref<7x8x2048xf32, #tpu.memory_space<vmem>> -> memref<1x8x2048xf32, #tpu.memory_space<vmem>>
        %dma_wait3A_450 = tpu.memref_squeeze %dma_wait3A_449 : memref<1x8x2048xf32, #tpu.memory_space<vmem>> -> memref<8x2048xf32, #tpu.memory_space<vmem>>
        %dma_wait3A_451 = arith.constant 0 : i32
        %dma_wait3A_452 = arith.constant 0 : i32
        %dma_wait3A_453 = tpu.memref_slice %arg4[%dma_wait3A_451, %dma_wait3A_452] : memref<16384x2048xf32, #tpu.memory_space<hbm>> -> memref<8x2048xf32, #tpu.memory_space<hbm>>
        %dma_wait3A_454 = arith.constant 0 : i32
        %dma_wait3A_455 = arith.constant 0 : i32
        %dma_wait3A_456 = tpu.memref_slice %arg4[%dma_wait3A_454, %dma_wait3A_455] : memref<16384x2048xf32, #tpu.memory_space<hbm>> -> memref<8x2048xf32, #tpu.memory_space<hbm>>
        %dma_wait3A_457 = arith.constant 0 : i32
        %dma_wait3A_458 = arith.constant 0 : i32
        %dma_wait3A_459 = tpu.memref_slice %arg6[%dma_wait3A_446, %dma_wait3A_457, %dma_wait3A_458] : memref<7x8x2048xf32, #tpu.memory_space<vmem>> -> memref<1x8x2048xf32, #tpu.memory_space<vmem>>
        %dma_wait3A_460 = tpu.memref_squeeze %dma_wait3A_459 : memref<1x8x2048xf32, #tpu.memory_space<vmem>> -> memref<8x2048xf32, #tpu.memory_space<vmem>>
        tpu.wait_dma2 semaphore(%arg20 : memref<!tpu.dma_semaphore, #tpu.memory_space<semaphore_mem>>) src(%dma_wait3A_460 : memref<8x2048xf32, #tpu.memory_space<vmem>>) dst(%dma_wait3A_456 : memref<8x2048xf32, #tpu.memory_space<hbm>>)
      } else {
      }
      %add3A_198 = arith.constant 5 : i32
      %add3A_199 = arith.addi %add3A_177, %add3A_198 : i32
      %lt3A_200 = arith.constant 64 : i32
      %lt3A_201 = arith.cmpi slt, %add3A_199, %lt3A_200 : i32
      %convert_element_type3A_202 = arith.extui %lt3A_201 : i1 to i32
      %cond3A_203 = arith.constant 0 : i32
      %cond3A_204 = arith.cmpi ne, %convert_element_type3A_202, %cond3A_203 : i32
      scf.if %cond3A_204 {
        %add3A_446 = arith.constant 5 : i32
        %add3A_447 = arith.addi %add3A_177, %add3A_446 : i32
        %mul3A_448 = arith.constant 8 : i32
        %mul3A_449 = arith.muli %add3A_447, %mul3A_448 : i32
        %dma_start3A_450 = arith.constant 6 : i32
        %dma_start3A_451 = arith.constant 0 : i32
        %dma_start3A_452 = arith.constant 0 : i32
        %dma_start3A_453 = tpu.memref_slice %arg6[%dma_start3A_450, %dma_start3A_451, %dma_start3A_452] : memref<7x8x2048xf32, #tpu.memory_space<vmem>> -> memref<1x8x2048xf32, #tpu.memory_space<vmem>>
        %dma_start3A_454 = tpu.memref_squeeze %dma_start3A_453 : memref<1x8x2048xf32, #tpu.memory_space<vmem>> -> memref<8x2048xf32, #tpu.memory_space<vmem>>
        %dma_start3A_455 = tpu.memref_slice %arg5[%mul3A_449] : memref<512xi32, #tpu.memory_space<vmem>> -> memref<8xi32, #tpu.memory_space<vmem>>
        %dma_start3A_456 = arith.constant 0 : i32
        %dma_start3A_457 = arith.constant 0 : i32
        %dma_start3A_458 = tpu.memref_slice %arg3[%dma_start3A_456, %dma_start3A_457] : memref<16384x2048xf32, #tpu.memory_space<hbm>> -> memref<16384x2048xf32, #tpu.memory_space<hbm>>
        tpu.enqueue_indirect_dma source(%dma_start3A_458 : memref<16384x2048xf32, #tpu.memory_space<hbm>>) target(%dma_start3A_454 : memref<8x2048xf32, #tpu.memory_space<vmem>>) offsets(%dma_start3A_455 : memref<8xi32, #tpu.memory_space<vmem>>) semaphore(%arg13 : memref<!tpu.dma_semaphore, #tpu.memory_space<semaphore_mem>>)
      } else {
      }
      %mul3A_205 = arith.constant 8 : i32
      %mul3A_206 = arith.muli %add3A_177, %mul3A_205 : i32
      %add3A_207 = arith.addi %mul3A_2, %mul3A_206 : i32
      %dma_start3A_208 = arith.constant 1 : i32
      %dma_start3A_209 = arith.constant 0 : i32
      %dma_start3A_210 = arith.constant 0 : i32
      %dma_start3A_211 = tpu.memref_slice %arg6[%dma_start3A_208, %dma_start3A_209, %dma_start3A_210] : memref<7x8x2048xf32, #tpu.memory_space<vmem>> -> memref<1x8x2048xf32, #tpu.memory_space<vmem>>
      %dma_start3A_212 = tpu.memref_squeeze %dma_start3A_211 : memref<1x8x2048xf32, #tpu.memory_space<vmem>> -> memref<8x2048xf32, #tpu.memory_space<vmem>>
      %dma_start3A_213 = arith.constant 0 : i32
      %dma_start3A_214 = tpu.memref_slice %arg4[%add3A_207, %dma_start3A_213] : memref<16384x2048xf32, #tpu.memory_space<hbm>> -> memref<8x2048xf32, #tpu.memory_space<hbm>>
      %dma_start3A_215 = arith.constant 0 : i32
      %dma_start3A_216 = tpu.memref_slice %arg4[%add3A_207, %dma_start3A_215] : memref<16384x2048xf32, #tpu.memory_space<hbm>> -> memref<8x2048xf32, #tpu.memory_space<hbm>>
      %dma_start3A_217 = arith.constant 0 : i32
      %dma_start3A_218 = arith.constant 0 : i32
      %dma_start3A_219 = tpu.memref_slice %arg6[%dma_start3A_208, %dma_start3A_217, %dma_start3A_218] : memref<7x8x2048xf32, #tpu.memory_space<vmem>> -> memref<1x8x2048xf32, #tpu.memory_space<vmem>>
      %dma_start3A_220 = tpu.memref_squeeze %dma_start3A_219 : memref<1x8x2048xf32, #tpu.memory_space<vmem>> -> memref<8x2048xf32, #tpu.memory_space<vmem>>
      tpu.enqueue_dma source(%dma_start3A_220 : memref<8x2048xf32, #tpu.memory_space<vmem>>) target(%dma_start3A_216 : memref<8x2048xf32, #tpu.memory_space<hbm>>) target_semaphore(%arg15 : memref<!tpu.dma_semaphore, #tpu.memory_space<semaphore_mem>>)
      %add3A_221 = arith.constant 2 : i32
      %add3A_222 = arith.addi %add3A_134, %add3A_221 : i32
      %dma_wait3A_223 = arith.constant 2 : i32
      %dma_wait3A_224 = arith.constant 0 : i32
      %dma_wait3A_225 = arith.constant 0 : i32
      %dma_wait3A_226 = tpu.memref_slice %arg6[%dma_wait3A_223, %dma_wait3A_224, %dma_wait3A_225] : memref<7x8x2048xf32, #tpu.memory_space<vmem>> -> memref<1x8x2048xf32, #tpu.memory_space<vmem>>
      %dma_wait3A_227 = tpu.memref_squeeze %dma_wait3A_226 : memref<1x8x2048xf32, #tpu.memory_space<vmem>> -> memref<8x2048xf32, #tpu.memory_space<vmem>>
      %dma_wait3A_228 = arith.constant 0 : i32
      %dma_wait3A_229 = arith.constant 0 : i32
      %dma_wait3A_230 = tpu.memref_slice %arg3[%dma_wait3A_228, %dma_wait3A_229] : memref<16384x2048xf32, #tpu.memory_space<hbm>> -> memref<8x2048xf32, #tpu.memory_space<hbm>>
      %dma_wait3A_231 = arith.constant 0 : i32
      %dma_wait3A_232 = arith.constant 0 : i32
      %dma_wait3A_233 = tpu.memref_slice %arg6[%dma_wait3A_223, %dma_wait3A_231, %dma_wait3A_232] : memref<7x8x2048xf32, #tpu.memory_space<vmem>> -> memref<1x8x2048xf32, #tpu.memory_space<vmem>>
      %dma_wait3A_234 = tpu.memref_squeeze %dma_wait3A_233 : memref<1x8x2048xf32, #tpu.memory_space<vmem>> -> memref<8x2048xf32, #tpu.memory_space<vmem>>
      %dma_wait3A_235 = arith.constant 0 : i32
      %dma_wait3A_236 = arith.constant 0 : i32
      %dma_wait3A_237 = tpu.memref_slice %arg3[%dma_wait3A_235, %dma_wait3A_236] : memref<16384x2048xf32, #tpu.memory_space<hbm>> -> memref<8x2048xf32, #tpu.memory_space<hbm>>
      tpu.wait_dma2 semaphore(%arg9 : memref<!tpu.dma_semaphore, #tpu.memory_space<semaphore_mem>>) src(%dma_wait3A_237 : memref<8x2048xf32, #tpu.memory_space<hbm>>) dst(%dma_wait3A_234 : memref<8x2048xf32, #tpu.memory_space<vmem>>)
      %ge3A_238 = arith.constant 2 : i32
      %ge3A_239 = arith.cmpi sge, %add3A_222, %ge3A_238 : i32
      %convert_element_type3A_240 = arith.extui %ge3A_239 : i1 to i32
      %cond3A_241 = arith.constant 0 : i32
      %cond3A_242 = arith.cmpi ne, %convert_element_type3A_240, %cond3A_241 : i32
      scf.if %cond3A_242 {
        %dma_wait3A_446 = arith.constant 0 : i32
        %dma_wait3A_447 = arith.constant 0 : i32
        %dma_wait3A_448 = arith.constant 0 : i32
        %dma_wait3A_449 = tpu.memref_slice %arg6[%dma_wait3A_446, %dma_wait3A_447, %dma_wait3A_448] : memref<7x8x2048xf32, #tpu.memory_space<vmem>> -> memref<1x8x2048xf32, #tpu.memory_space<vmem>>
        %dma_wait3A_450 = tpu.memref_squeeze %dma_wait3A_449 : memref<1x8x2048xf32, #tpu.memory_space<vmem>> -> memref<8x2048xf32, #tpu.memory_space<vmem>>
        %dma_wait3A_451 = arith.constant 0 : i32
        %dma_wait3A_452 = arith.constant 0 : i32
        %dma_wait3A_453 = tpu.memref_slice %arg4[%dma_wait3A_451, %dma_wait3A_452] : memref<16384x2048xf32, #tpu.memory_space<hbm>> -> memref<8x2048xf32, #tpu.memory_space<hbm>>
        %dma_wait3A_454 = arith.constant 0 : i32
        %dma_wait3A_455 = arith.constant 0 : i32
        %dma_wait3A_456 = tpu.memref_slice %arg4[%dma_wait3A_454, %dma_wait3A_455] : memref<16384x2048xf32, #tpu.memory_space<hbm>> -> memref<8x2048xf32, #tpu.memory_space<hbm>>
        %dma_wait3A_457 = arith.constant 0 : i32
        %dma_wait3A_458 = arith.constant 0 : i32
        %dma_wait3A_459 = tpu.memref_slice %arg6[%dma_wait3A_446, %dma_wait3A_457, %dma_wait3A_458] : memref<7x8x2048xf32, #tpu.memory_space<vmem>> -> memref<1x8x2048xf32, #tpu.memory_space<vmem>>
        %dma_wait3A_460 = tpu.memref_squeeze %dma_wait3A_459 : memref<1x8x2048xf32, #tpu.memory_space<vmem>> -> memref<8x2048xf32, #tpu.memory_space<vmem>>
        tpu.wait_dma2 semaphore(%arg14 : memref<!tpu.dma_semaphore, #tpu.memory_space<semaphore_mem>>) src(%dma_wait3A_460 : memref<8x2048xf32, #tpu.memory_space<vmem>>) dst(%dma_wait3A_456 : memref<8x2048xf32, #tpu.memory_space<hbm>>)
      } else {
      }
      %add3A_243 = arith.constant 5 : i32
      %add3A_244 = arith.addi %add3A_222, %add3A_243 : i32
      %lt3A_245 = arith.constant 64 : i32
      %lt3A_246 = arith.cmpi slt, %add3A_244, %lt3A_245 : i32
      %convert_element_type3A_247 = arith.extui %lt3A_246 : i1 to i32
      %cond3A_248 = arith.constant 0 : i32
      %cond3A_249 = arith.cmpi ne, %convert_element_type3A_247, %cond3A_248 : i32
      scf.if %cond3A_249 {
        %add3A_446 = arith.constant 5 : i32
        %add3A_447 = arith.addi %add3A_222, %add3A_446 : i32
        %mul3A_448 = arith.constant 8 : i32
        %mul3A_449 = arith.muli %add3A_447, %mul3A_448 : i32
        %dma_start3A_450 = arith.constant 0 : i32
        %dma_start3A_451 = arith.constant 0 : i32
        %dma_start3A_452 = arith.constant 0 : i32
        %dma_start3A_453 = tpu.memref_slice %arg6[%dma_start3A_450, %dma_start3A_451, %dma_start3A_452] : memref<7x8x2048xf32, #tpu.memory_space<vmem>> -> memref<1x8x2048xf32, #tpu.memory_space<vmem>>
        %dma_start3A_454 = tpu.memref_squeeze %dma_start3A_453 : memref<1x8x2048xf32, #tpu.memory_space<vmem>> -> memref<8x2048xf32, #tpu.memory_space<vmem>>
        %dma_start3A_455 = tpu.memref_slice %arg5[%mul3A_449] : memref<512xi32, #tpu.memory_space<vmem>> -> memref<8xi32, #tpu.memory_space<vmem>>
        %dma_start3A_456 = arith.constant 0 : i32
        %dma_start3A_457 = arith.constant 0 : i32
        %dma_start3A_458 = tpu.memref_slice %arg3[%dma_start3A_456, %dma_start3A_457] : memref<16384x2048xf32, #tpu.memory_space<hbm>> -> memref<16384x2048xf32, #tpu.memory_space<hbm>>
        tpu.enqueue_indirect_dma source(%dma_start3A_458 : memref<16384x2048xf32, #tpu.memory_space<hbm>>) target(%dma_start3A_454 : memref<8x2048xf32, #tpu.memory_space<vmem>>) offsets(%dma_start3A_455 : memref<8xi32, #tpu.memory_space<vmem>>) semaphore(%arg7 : memref<!tpu.dma_semaphore, #tpu.memory_space<semaphore_mem>>)
      } else {
      }
      %mul3A_250 = arith.constant 8 : i32
      %mul3A_251 = arith.muli %add3A_222, %mul3A_250 : i32
      %add3A_252 = arith.addi %mul3A_2, %mul3A_251 : i32
      %dma_start3A_253 = arith.constant 2 : i32
      %dma_start3A_254 = arith.constant 0 : i32
      %dma_start3A_255 = arith.constant 0 : i32
      %dma_start3A_256 = tpu.memref_slice %arg6[%dma_start3A_253, %dma_start3A_254, %dma_start3A_255] : memref<7x8x2048xf32, #tpu.memory_space<vmem>> -> memref<1x8x2048xf32, #tpu.memory_space<vmem>>
      %dma_start3A_257 = tpu.memref_squeeze %dma_start3A_256 : memref<1x8x2048xf32, #tpu.memory_space<vmem>> -> memref<8x2048xf32, #tpu.memory_space<vmem>>
      %dma_start3A_258 = arith.constant 0 : i32
      %dma_start3A_259 = tpu.memref_slice %arg4[%add3A_252, %dma_start3A_258] : memref<16384x2048xf32, #tpu.memory_space<hbm>> -> memref<8x2048xf32, #tpu.memory_space<hbm>>
      %dma_start3A_260 = arith.constant 0 : i32
      %dma_start3A_261 = tpu.memref_slice %arg4[%add3A_252, %dma_start3A_260] : memref<16384x2048xf32, #tpu.memory_space<hbm>> -> memref<8x2048xf32, #tpu.memory_space<hbm>>
      %dma_start3A_262 = arith.constant 0 : i32
      %dma_start3A_263 = arith.constant 0 : i32
      %dma_start3A_264 = tpu.memref_slice %arg6[%dma_start3A_253, %dma_start3A_262, %dma_start3A_263] : memref<7x8x2048xf32, #tpu.memory_space<vmem>> -> memref<1x8x2048xf32, #tpu.memory_space<vmem>>
      %dma_start3A_265 = tpu.memref_squeeze %dma_start3A_264 : memref<1x8x2048xf32, #tpu.memory_space<vmem>> -> memref<8x2048xf32, #tpu.memory_space<vmem>>
      tpu.enqueue_dma source(%dma_start3A_265 : memref<8x2048xf32, #tpu.memory_space<vmem>>) target(%dma_start3A_261 : memref<8x2048xf32, #tpu.memory_space<hbm>>) target_semaphore(%arg16 : memref<!tpu.dma_semaphore, #tpu.memory_space<semaphore_mem>>)
      %add3A_266 = arith.constant 3 : i32
      %add3A_267 = arith.addi %add3A_134, %add3A_266 : i32
      %dma_wait3A_268 = arith.constant 3 : i32
      %dma_wait3A_269 = arith.constant 0 : i32
      %dma_wait3A_270 = arith.constant 0 : i32
      %dma_wait3A_271 = tpu.memref_slice %arg6[%dma_wait3A_268, %dma_wait3A_269, %dma_wait3A_270] : memref<7x8x2048xf32, #tpu.memory_space<vmem>> -> memref<1x8x2048xf32, #tpu.memory_space<vmem>>
      %dma_wait3A_272 = tpu.memref_squeeze %dma_wait3A_271 : memref<1x8x2048xf32, #tpu.memory_space<vmem>> -> memref<8x2048xf32, #tpu.memory_space<vmem>>
      %dma_wait3A_273 = arith.constant 0 : i32
      %dma_wait3A_274 = arith.constant 0 : i32
      %dma_wait3A_275 = tpu.memref_slice %arg3[%dma_wait3A_273, %dma_wait3A_274] : memref<16384x2048xf32, #tpu.memory_space<hbm>> -> memref<8x2048xf32, #tpu.memory_space<hbm>>
      %dma_wait3A_276 = arith.constant 0 : i32
      %dma_wait3A_277 = arith.constant 0 : i32
      %dma_wait3A_278 = tpu.memref_slice %arg6[%dma_wait3A_268, %dma_wait3A_276, %dma_wait3A_277] : memref<7x8x2048xf32, #tpu.memory_space<vmem>> -> memref<1x8x2048xf32, #tpu.memory_space<vmem>>
      %dma_wait3A_279 = tpu.memref_squeeze %dma_wait3A_278 : memref<1x8x2048xf32, #tpu.memory_space<vmem>> -> memref<8x2048xf32, #tpu.memory_space<vmem>>
      %dma_wait3A_280 = arith.constant 0 : i32
      %dma_wait3A_281 = arith.constant 0 : i32
      %dma_wait3A_282 = tpu.memref_slice %arg3[%dma_wait3A_280, %dma_wait3A_281] : memref<16384x2048xf32, #tpu.memory_space<hbm>> -> memref<8x2048xf32, #tpu.memory_space<hbm>>
      tpu.wait_dma2 semaphore(%arg10 : memref<!tpu.dma_semaphore, #tpu.memory_space<semaphore_mem>>) src(%dma_wait3A_282 : memref<8x2048xf32, #tpu.memory_space<hbm>>) dst(%dma_wait3A_279 : memref<8x2048xf32, #tpu.memory_space<vmem>>)
      %ge3A_283 = arith.constant 2 : i32
      %ge3A_284 = arith.cmpi sge, %add3A_267, %ge3A_283 : i32
      %convert_element_type3A_285 = arith.extui %ge3A_284 : i1 to i32
      %cond3A_286 = arith.constant 0 : i32
      %cond3A_287 = arith.cmpi ne, %convert_element_type3A_285, %cond3A_286 : i32
      scf.if %cond3A_287 {
        %dma_wait3A_446 = arith.constant 1 : i32
        %dma_wait3A_447 = arith.constant 0 : i32
        %dma_wait3A_448 = arith.constant 0 : i32
        %dma_wait3A_449 = tpu.memref_slice %arg6[%dma_wait3A_446, %dma_wait3A_447, %dma_wait3A_448] : memref<7x8x2048xf32, #tpu.memory_space<vmem>> -> memref<1x8x2048xf32, #tpu.memory_space<vmem>>
        %dma_wait3A_450 = tpu.memref_squeeze %dma_wait3A_449 : memref<1x8x2048xf32, #tpu.memory_space<vmem>> -> memref<8x2048xf32, #tpu.memory_space<vmem>>
        %dma_wait3A_451 = arith.constant 0 : i32
        %dma_wait3A_452 = arith.constant 0 : i32
        %dma_wait3A_453 = tpu.memref_slice %arg4[%dma_wait3A_451, %dma_wait3A_452] : memref<16384x2048xf32, #tpu.memory_space<hbm>> -> memref<8x2048xf32, #tpu.memory_space<hbm>>
        %dma_wait3A_454 = arith.constant 0 : i32
        %dma_wait3A_455 = arith.constant 0 : i32
        %dma_wait3A_456 = tpu.memref_slice %arg4[%dma_wait3A_454, %dma_wait3A_455] : memref<16384x2048xf32, #tpu.memory_space<hbm>> -> memref<8x2048xf32, #tpu.memory_space<hbm>>
        %dma_wait3A_457 = arith.constant 0 : i32
        %dma_wait3A_458 = arith.constant 0 : i32
        %dma_wait3A_459 = tpu.memref_slice %arg6[%dma_wait3A_446, %dma_wait3A_457, %dma_wait3A_458] : memref<7x8x2048xf32, #tpu.memory_space<vmem>> -> memref<1x8x2048xf32, #tpu.memory_space<vmem>>
        %dma_wait3A_460 = tpu.memref_squeeze %dma_wait3A_459 : memref<1x8x2048xf32, #tpu.memory_space<vmem>> -> memref<8x2048xf32, #tpu.memory_space<vmem>>
        tpu.wait_dma2 semaphore(%arg15 : memref<!tpu.dma_semaphore, #tpu.memory_space<semaphore_mem>>) src(%dma_wait3A_460 : memref<8x2048xf32, #tpu.memory_space<vmem>>) dst(%dma_wait3A_456 : memref<8x2048xf32, #tpu.memory_space<hbm>>)
      } else {
      }
      %add3A_288 = arith.constant 5 : i32
      %add3A_289 = arith.addi %add3A_267, %add3A_288 : i32
      %lt3A_290 = arith.constant 64 : i32
      %lt3A_291 = arith.cmpi slt, %add3A_289, %lt3A_290 : i32
      %convert_element_type3A_292 = arith.extui %lt3A_291 : i1 to i32
      %cond3A_293 = arith.constant 0 : i32
      %cond3A_294 = arith.cmpi ne, %convert_element_type3A_292, %cond3A_293 : i32
      scf.if %cond3A_294 {
        %add3A_446 = arith.constant 5 : i32
        %add3A_447 = arith.addi %add3A_267, %add3A_446 : i32
        %mul3A_448 = arith.constant 8 : i32
        %mul3A_449 = arith.muli %add3A_447, %mul3A_448 : i32
        %dma_start3A_450 = arith.constant 1 : i32
        %dma_start3A_451 = arith.constant 0 : i32
        %dma_start3A_452 = arith.constant 0 : i32
        %dma_start3A_453 = tpu.memref_slice %arg6[%dma_start3A_450, %dma_start3A_451, %dma_start3A_452] : memref<7x8x2048xf32, #tpu.memory_space<vmem>> -> memref<1x8x2048xf32, #tpu.memory_space<vmem>>
        %dma_start3A_454 = tpu.memref_squeeze %dma_start3A_453 : memref<1x8x2048xf32, #tpu.memory_space<vmem>> -> memref<8x2048xf32, #tpu.memory_space<vmem>>
        %dma_start3A_455 = tpu.memref_slice %arg5[%mul3A_449] : memref<512xi32, #tpu.memory_space<vmem>> -> memref<8xi32, #tpu.memory_space<vmem>>
        %dma_start3A_456 = arith.constant 0 : i32
        %dma_start3A_457 = arith.constant 0 : i32
        %dma_start3A_458 = tpu.memref_slice %arg3[%dma_start3A_456, %dma_start3A_457] : memref<16384x2048xf32, #tpu.memory_space<hbm>> -> memref<16384x2048xf32, #tpu.memory_space<hbm>>
        tpu.enqueue_indirect_dma source(%dma_start3A_458 : memref<16384x2048xf32, #tpu.memory_space<hbm>>) target(%dma_start3A_454 : memref<8x2048xf32, #tpu.memory_space<vmem>>) offsets(%dma_start3A_455 : memref<8xi32, #tpu.memory_space<vmem>>) semaphore(%arg8 : memref<!tpu.dma_semaphore, #tpu.memory_space<semaphore_mem>>)
      } else {
      }
      %mul3A_295 = arith.constant 8 : i32
      %mul3A_296 = arith.muli %add3A_267, %mul3A_295 : i32
      %add3A_297 = arith.addi %mul3A_2, %mul3A_296 : i32
      %dma_start3A_298 = arith.constant 3 : i32
      %dma_start3A_299 = arith.constant 0 : i32
      %dma_start3A_300 = arith.constant 0 : i32
      %dma_start3A_301 = tpu.memref_slice %arg6[%dma_start3A_298, %dma_start3A_299, %dma_start3A_300] : memref<7x8x2048xf32, #tpu.memory_space<vmem>> -> memref<1x8x2048xf32, #tpu.memory_space<vmem>>
      %dma_start3A_302 = tpu.memref_squeeze %dma_start3A_301 : memref<1x8x2048xf32, #tpu.memory_space<vmem>> -> memref<8x2048xf32, #tpu.memory_space<vmem>>
      %dma_start3A_303 = arith.constant 0 : i32
      %dma_start3A_304 = tpu.memref_slice %arg4[%add3A_297, %dma_start3A_303] : memref<16384x2048xf32, #tpu.memory_space<hbm>> -> memref<8x2048xf32, #tpu.memory_space<hbm>>
      %dma_start3A_305 = arith.constant 0 : i32
      %dma_start3A_306 = tpu.memref_slice %arg4[%add3A_297, %dma_start3A_305] : memref<16384x2048xf32, #tpu.memory_space<hbm>> -> memref<8x2048xf32, #tpu.memory_space<hbm>>
      %dma_start3A_307 = arith.constant 0 : i32
      %dma_start3A_308 = arith.constant 0 : i32
      %dma_start3A_309 = tpu.memref_slice %arg6[%dma_start3A_298, %dma_start3A_307, %dma_start3A_308] : memref<7x8x2048xf32, #tpu.memory_space<vmem>> -> memref<1x8x2048xf32, #tpu.memory_space<vmem>>
      %dma_start3A_310 = tpu.memref_squeeze %dma_start3A_309 : memref<1x8x2048xf32, #tpu.memory_space<vmem>> -> memref<8x2048xf32, #tpu.memory_space<vmem>>
      tpu.enqueue_dma source(%dma_start3A_310 : memref<8x2048xf32, #tpu.memory_space<vmem>>) target(%dma_start3A_306 : memref<8x2048xf32, #tpu.memory_space<hbm>>) target_semaphore(%arg17 : memref<!tpu.dma_semaphore, #tpu.memory_space<semaphore_mem>>)
      %add3A_311 = arith.constant 4 : i32
      %add3A_312 = arith.addi %add3A_134, %add3A_311 : i32
      %dma_wait3A_313 = arith.constant 4 : i32
      %dma_wait3A_314 = arith.constant 0 : i32
      %dma_wait3A_315 = arith.constant 0 : i32
      %dma_wait3A_316 = tpu.memref_slice %arg6[%dma_wait3A_313, %dma_wait3A_314, %dma_wait3A_315] : memref<7x8x2048xf32, #tpu.memory_space<vmem>> -> memref<1x8x2048xf32, #tpu.memory_space<vmem>>
      %dma_wait3A_317 = tpu.memref_squeeze %dma_wait3A_316 : memref<1x8x2048xf32, #tpu.memory_space<vmem>> -> memref<8x2048xf32, #tpu.memory_space<vmem>>
      %dma_wait3A_318 = arith.constant 0 : i32
      %dma_wait3A_319 = arith.constant 0 : i32
      %dma_wait3A_320 = tpu.memref_slice %arg3[%dma_wait3A_318, %dma_wait3A_319] : memref<16384x2048xf32, #tpu.memory_space<hbm>> -> memref<8x2048xf32, #tpu.memory_space<hbm>>
      %dma_wait3A_321 = arith.constant 0 : i32
      %dma_wait3A_322 = arith.constant 0 : i32
      %dma_wait3A_323 = tpu.memref_slice %arg6[%dma_wait3A_313, %dma_wait3A_321, %dma_wait3A_322] : memref<7x8x2048xf32, #tpu.memory_space<vmem>> -> memref<1x8x2048xf32, #tpu.memory_space<vmem>>
      %dma_wait3A_324 = tpu.memref_squeeze %dma_wait3A_323 : memref<1x8x2048xf32, #tpu.memory_space<vmem>> -> memref<8x2048xf32, #tpu.memory_space<vmem>>
      %dma_wait3A_325 = arith.constant 0 : i32
      %dma_wait3A_326 = arith.constant 0 : i32
      %dma_wait3A_327 = tpu.memref_slice %arg3[%dma_wait3A_325, %dma_wait3A_326] : memref<16384x2048xf32, #tpu.memory_space<hbm>> -> memref<8x2048xf32, #tpu.memory_space<hbm>>
      tpu.wait_dma2 semaphore(%arg11 : memref<!tpu.dma_semaphore, #tpu.memory_space<semaphore_mem>>) src(%dma_wait3A_327 : memref<8x2048xf32, #tpu.memory_space<hbm>>) dst(%dma_wait3A_324 : memref<8x2048xf32, #tpu.memory_space<vmem>>)
      %ge3A_328 = arith.constant 2 : i32
      %ge3A_329 = arith.cmpi sge, %add3A_312, %ge3A_328 : i32
      %convert_element_type3A_330 = arith.extui %ge3A_329 : i1 to i32
      %cond3A_331 = arith.constant 0 : i32
      %cond3A_332 = arith.cmpi ne, %convert_element_type3A_330, %cond3A_331 : i32
      scf.if %cond3A_332 {
        %dma_wait3A_446 = arith.constant 2 : i32
        %dma_wait3A_447 = arith.constant 0 : i32
        %dma_wait3A_448 = arith.constant 0 : i32
        %dma_wait3A_449 = tpu.memref_slice %arg6[%dma_wait3A_446, %dma_wait3A_447, %dma_wait3A_448] : memref<7x8x2048xf32, #tpu.memory_space<vmem>> -> memref<1x8x2048xf32, #tpu.memory_space<vmem>>
        %dma_wait3A_450 = tpu.memref_squeeze %dma_wait3A_449 : memref<1x8x2048xf32, #tpu.memory_space<vmem>> -> memref<8x2048xf32, #tpu.memory_space<vmem>>
        %dma_wait3A_451 = arith.constant 0 : i32
        %dma_wait3A_452 = arith.constant 0 : i32
        %dma_wait3A_453 = tpu.memref_slice %arg4[%dma_wait3A_451, %dma_wait3A_452] : memref<16384x2048xf32, #tpu.memory_space<hbm>> -> memref<8x2048xf32, #tpu.memory_space<hbm>>
        %dma_wait3A_454 = arith.constant 0 : i32
        %dma_wait3A_455 = arith.constant 0 : i32
        %dma_wait3A_456 = tpu.memref_slice %arg4[%dma_wait3A_454, %dma_wait3A_455] : memref<16384x2048xf32, #tpu.memory_space<hbm>> -> memref<8x2048xf32, #tpu.memory_space<hbm>>
        %dma_wait3A_457 = arith.constant 0 : i32
        %dma_wait3A_458 = arith.constant 0 : i32
        %dma_wait3A_459 = tpu.memref_slice %arg6[%dma_wait3A_446, %dma_wait3A_457, %dma_wait3A_458] : memref<7x8x2048xf32, #tpu.memory_space<vmem>> -> memref<1x8x2048xf32, #tpu.memory_space<vmem>>
        %dma_wait3A_460 = tpu.memref_squeeze %dma_wait3A_459 : memref<1x8x2048xf32, #tpu.memory_space<vmem>> -> memref<8x2048xf32, #tpu.memory_space<vmem>>
        tpu.wait_dma2 semaphore(%arg16 : memref<!tpu.dma_semaphore, #tpu.memory_space<semaphore_mem>>) src(%dma_wait3A_460 : memref<8x2048xf32, #tpu.memory_space<vmem>>) dst(%dma_wait3A_456 : memref<8x2048xf32, #tpu.memory_space<hbm>>)
      } else {
      }
      %add3A_333 = arith.constant 5 : i32
      %add3A_334 = arith.addi %add3A_312, %add3A_333 : i32
      %lt3A_335 = arith.constant 64 : i32
      %lt3A_336 = arith.cmpi slt, %add3A_334, %lt3A_335 : i32
      %convert_element_type3A_337 = arith.extui %lt3A_336 : i1 to i32
      %cond3A_338 = arith.constant 0 : i32
      %cond3A_339 = arith.cmpi ne, %convert_element_type3A_337, %cond3A_338 : i32
      scf.if %cond3A_339 {
        %add3A_446 = arith.constant 5 : i32
        %add3A_447 = arith.addi %add3A_312, %add3A_446 : i32
        %mul3A_448 = arith.constant 8 : i32
        %mul3A_449 = arith.muli %add3A_447, %mul3A_448 : i32
        %dma_start3A_450 = arith.constant 2 : i32
        %dma_start3A_451 = arith.constant 0 : i32
        %dma_start3A_452 = arith.constant 0 : i32
        %dma_start3A_453 = tpu.memref_slice %arg6[%dma_start3A_450, %dma_start3A_451, %dma_start3A_452] : memref<7x8x2048xf32, #tpu.memory_space<vmem>> -> memref<1x8x2048xf32, #tpu.memory_space<vmem>>
        %dma_start3A_454 = tpu.memref_squeeze %dma_start3A_453 : memref<1x8x2048xf32, #tpu.memory_space<vmem>> -> memref<8x2048xf32, #tpu.memory_space<vmem>>
        %dma_start3A_455 = tpu.memref_slice %arg5[%mul3A_449] : memref<512xi32, #tpu.memory_space<vmem>> -> memref<8xi32, #tpu.memory_space<vmem>>
        %dma_start3A_456 = arith.constant 0 : i32
        %dma_start3A_457 = arith.constant 0 : i32
        %dma_start3A_458 = tpu.memref_slice %arg3[%dma_start3A_456, %dma_start3A_457] : memref<16384x2048xf32, #tpu.memory_space<hbm>> -> memref<16384x2048xf32, #tpu.memory_space<hbm>>
        tpu.enqueue_indirect_dma source(%dma_start3A_458 : memref<16384x2048xf32, #tpu.memory_space<hbm>>) target(%dma_start3A_454 : memref<8x2048xf32, #tpu.memory_space<vmem>>) offsets(%dma_start3A_455 : memref<8xi32, #tpu.memory_space<vmem>>) semaphore(%arg9 : memref<!tpu.dma_semaphore, #tpu.memory_space<semaphore_mem>>)
      } else {
      }
      %mul3A_340 = arith.constant 8 : i32
      %mul3A_341 = arith.muli %add3A_312, %mul3A_340 : i32
      %add3A_342 = arith.addi %mul3A_2, %mul3A_341 : i32
      %dma_start3A_343 = arith.constant 4 : i32
      %dma_start3A_344 = arith.constant 0 : i32
      %dma_start3A_345 = arith.constant 0 : i32
      %dma_start3A_346 = tpu.memref_slice %arg6[%dma_start3A_343, %dma_start3A_344, %dma_start3A_345] : memref<7x8x2048xf32, #tpu.memory_space<vmem>> -> memref<1x8x2048xf32, #tpu.memory_space<vmem>>
      %dma_start3A_347 = tpu.memref_squeeze %dma_start3A_346 : memref<1x8x2048xf32, #tpu.memory_space<vmem>> -> memref<8x2048xf32, #tpu.memory_space<vmem>>
      %dma_start3A_348 = arith.constant 0 : i32
      %dma_start3A_349 = tpu.memref_slice %arg4[%add3A_342, %dma_start3A_348] : memref<16384x2048xf32, #tpu.memory_space<hbm>> -> memref<8x2048xf32, #tpu.memory_space<hbm>>
      %dma_start3A_350 = arith.constant 0 : i32
      %dma_start3A_351 = tpu.memref_slice %arg4[%add3A_342, %dma_start3A_350] : memref<16384x2048xf32, #tpu.memory_space<hbm>> -> memref<8x2048xf32, #tpu.memory_space<hbm>>
      %dma_start3A_352 = arith.constant 0 : i32
      %dma_start3A_353 = arith.constant 0 : i32
      %dma_start3A_354 = tpu.memref_slice %arg6[%dma_start3A_343, %dma_start3A_352, %dma_start3A_353] : memref<7x8x2048xf32, #tpu.memory_space<vmem>> -> memref<1x8x2048xf32, #tpu.memory_space<vmem>>
      %dma_start3A_355 = tpu.memref_squeeze %dma_start3A_354 : memref<1x8x2048xf32, #tpu.memory_space<vmem>> -> memref<8x2048xf32, #tpu.memory_space<vmem>>
      tpu.enqueue_dma source(%dma_start3A_355 : memref<8x2048xf32, #tpu.memory_space<vmem>>) target(%dma_start3A_351 : memref<8x2048xf32, #tpu.memory_space<hbm>>) target_semaphore(%arg18 : memref<!tpu.dma_semaphore, #tpu.memory_space<semaphore_mem>>)
      %add3A_356 = arith.constant 5 : i32
      %add3A_357 = arith.addi %add3A_134, %add3A_356 : i32
      %dma_wait3A_358 = arith.constant 5 : i32
      %dma_wait3A_359 = arith.constant 0 : i32
      %dma_wait3A_360 = arith.constant 0 : i32
      %dma_wait3A_361 = tpu.memref_slice %arg6[%dma_wait3A_358, %dma_wait3A_359, %dma_wait3A_360] : memref<7x8x2048xf32, #tpu.memory_space<vmem>> -> memref<1x8x2048xf32, #tpu.memory_space<vmem>>
      %dma_wait3A_362 = tpu.memref_squeeze %dma_wait3A_361 : memref<1x8x2048xf32, #tpu.memory_space<vmem>> -> memref<8x2048xf32, #tpu.memory_space<vmem>>
      %dma_wait3A_363 = arith.constant 0 : i32
      %dma_wait3A_364 = arith.constant 0 : i32
      %dma_wait3A_365 = tpu.memref_slice %arg3[%dma_wait3A_363, %dma_wait3A_364] : memref<16384x2048xf32, #tpu.memory_space<hbm>> -> memref<8x2048xf32, #tpu.memory_space<hbm>>
      %dma_wait3A_366 = arith.constant 0 : i32
      %dma_wait3A_367 = arith.constant 0 : i32
      %dma_wait3A_368 = tpu.memref_slice %arg6[%dma_wait3A_358, %dma_wait3A_366, %dma_wait3A_367] : memref<7x8x2048xf32, #tpu.memory_space<vmem>> -> memref<1x8x2048xf32, #tpu.memory_space<vmem>>
      %dma_wait3A_369 = tpu.memref_squeeze %dma_wait3A_368 : memref<1x8x2048xf32, #tpu.memory_space<vmem>> -> memref<8x2048xf32, #tpu.memory_space<vmem>>
      %dma_wait3A_370 = arith.constant 0 : i32
      %dma_wait3A_371 = arith.constant 0 : i32
      %dma_wait3A_372 = tpu.memref_slice %arg3[%dma_wait3A_370, %dma_wait3A_371] : memref<16384x2048xf32, #tpu.memory_space<hbm>> -> memref<8x2048xf32, #tpu.memory_space<hbm>>
      tpu.wait_dma2 semaphore(%arg12 : memref<!tpu.dma_semaphore, #tpu.memory_space<semaphore_mem>>) src(%dma_wait3A_372 : memref<8x2048xf32, #tpu.memory_space<hbm>>) dst(%dma_wait3A_369 : memref<8x2048xf32, #tpu.memory_space<vmem>>)
      %ge3A_373 = arith.constant 2 : i32
      %ge3A_374 = arith.cmpi sge, %add3A_357, %ge3A_373 : i32
      %convert_element_type3A_375 = arith.extui %ge3A_374 : i1 to i32
      %cond3A_376 = arith.constant 0 : i32
      %cond3A_377 = arith.cmpi ne, %convert_element_type3A_375, %cond3A_376 : i32
      scf.if %cond3A_377 {
        %dma_wait3A_446 = arith.constant 3 : i32
        %dma_wait3A_447 = arith.constant 0 : i32
        %dma_wait3A_448 = arith.constant 0 : i32
        %dma_wait3A_449 = tpu.memref_slice %arg6[%dma_wait3A_446, %dma_wait3A_447, %dma_wait3A_448] : memref<7x8x2048xf32, #tpu.memory_space<vmem>> -> memref<1x8x2048xf32, #tpu.memory_space<vmem>>
        %dma_wait3A_450 = tpu.memref_squeeze %dma_wait3A_449 : memref<1x8x2048xf32, #tpu.memory_space<vmem>> -> memref<8x2048xf32, #tpu.memory_space<vmem>>
        %dma_wait3A_451 = arith.constant 0 : i32
        %dma_wait3A_452 = arith.constant 0 : i32
        %dma_wait3A_453 = tpu.memref_slice %arg4[%dma_wait3A_451, %dma_wait3A_452] : memref<16384x2048xf32, #tpu.memory_space<hbm>> -> memref<8x2048xf32, #tpu.memory_space<hbm>>
        %dma_wait3A_454 = arith.constant 0 : i32
        %dma_wait3A_455 = arith.constant 0 : i32
        %dma_wait3A_456 = tpu.memref_slice %arg4[%dma_wait3A_454, %dma_wait3A_455] : memref<16384x2048xf32, #tpu.memory_space<hbm>> -> memref<8x2048xf32, #tpu.memory_space<hbm>>
        %dma_wait3A_457 = arith.constant 0 : i32
        %dma_wait3A_458 = arith.constant 0 : i32
        %dma_wait3A_459 = tpu.memref_slice %arg6[%dma_wait3A_446, %dma_wait3A_457, %dma_wait3A_458] : memref<7x8x2048xf32, #tpu.memory_space<vmem>> -> memref<1x8x2048xf32, #tpu.memory_space<vmem>>
        %dma_wait3A_460 = tpu.memref_squeeze %dma_wait3A_459 : memref<1x8x2048xf32, #tpu.memory_space<vmem>> -> memref<8x2048xf32, #tpu.memory_space<vmem>>
        tpu.wait_dma2 semaphore(%arg17 : memref<!tpu.dma_semaphore, #tpu.memory_space<semaphore_mem>>) src(%dma_wait3A_460 : memref<8x2048xf32, #tpu.memory_space<vmem>>) dst(%dma_wait3A_456 : memref<8x2048xf32, #tpu.memory_space<hbm>>)
      } else {
      }
      %add3A_378 = arith.constant 5 : i32
      %add3A_379 = arith.addi %add3A_357, %add3A_378 : i32
      %lt3A_380 = arith.constant 64 : i32
      %lt3A_381 = arith.cmpi slt, %add3A_379, %lt3A_380 : i32
      %convert_element_type3A_382 = arith.extui %lt3A_381 : i1 to i32
      %cond3A_383 = arith.constant 0 : i32
      %cond3A_384 = arith.cmpi ne, %convert_element_type3A_382, %cond3A_383 : i32
      scf.if %cond3A_384 {
        %add3A_446 = arith.constant 5 : i32
        %add3A_447 = arith.addi %add3A_357, %add3A_446 : i32
        %mul3A_448 = arith.constant 8 : i32
        %mul3A_449 = arith.muli %add3A_447, %mul3A_448 : i32
        %dma_start3A_450 = arith.constant 3 : i32
        %dma_start3A_451 = arith.constant 0 : i32
        %dma_start3A_452 = arith.constant 0 : i32
        %dma_start3A_453 = tpu.memref_slice %arg6[%dma_start3A_450, %dma_start3A_451, %dma_start3A_452] : memref<7x8x2048xf32, #tpu.memory_space<vmem>> -> memref<1x8x2048xf32, #tpu.memory_space<vmem>>
        %dma_start3A_454 = tpu.memref_squeeze %dma_start3A_453 : memref<1x8x2048xf32, #tpu.memory_space<vmem>> -> memref<8x2048xf32, #tpu.memory_space<vmem>>
        %dma_start3A_455 = tpu.memref_slice %arg5[%mul3A_449] : memref<512xi32, #tpu.memory_space<vmem>> -> memref<8xi32, #tpu.memory_space<vmem>>
        %dma_start3A_456 = arith.constant 0 : i32
        %dma_start3A_457 = arith.constant 0 : i32
        %dma_start3A_458 = tpu.memref_slice %arg3[%dma_start3A_456, %dma_start3A_457] : memref<16384x2048xf32, #tpu.memory_space<hbm>> -> memref<16384x2048xf32, #tpu.memory_space<hbm>>
        tpu.enqueue_indirect_dma source(%dma_start3A_458 : memref<16384x2048xf32, #tpu.memory_space<hbm>>) target(%dma_start3A_454 : memref<8x2048xf32, #tpu.memory_space<vmem>>) offsets(%dma_start3A_455 : memref<8xi32, #tpu.memory_space<vmem>>) semaphore(%arg10 : memref<!tpu.dma_semaphore, #tpu.memory_space<semaphore_mem>>)
      } else {
      }
      %mul3A_385 = arith.constant 8 : i32
      %mul3A_386 = arith.muli %add3A_357, %mul3A_385 : i32
      %add3A_387 = arith.addi %mul3A_2, %mul3A_386 : i32
      %dma_start3A_388 = arith.constant 5 : i32
      %dma_start3A_389 = arith.constant 0 : i32
      %dma_start3A_390 = arith.constant 0 : i32
      %dma_start3A_391 = tpu.memref_slice %arg6[%dma_start3A_388, %dma_start3A_389, %dma_start3A_390] : memref<7x8x2048xf32, #tpu.memory_space<vmem>> -> memref<1x8x2048xf32, #tpu.memory_space<vmem>>
      %dma_start3A_392 = tpu.memref_squeeze %dma_start3A_391 : memref<1x8x2048xf32, #tpu.memory_space<vmem>> -> memref<8x2048xf32, #tpu.memory_space<vmem>>
      %dma_start3A_393 = arith.constant 0 : i32
      %dma_start3A_394 = tpu.memref_slice %arg4[%add3A_387, %dma_start3A_393] : memref<16384x2048xf32, #tpu.memory_space<hbm>> -> memref<8x2048xf32, #tpu.memory_space<hbm>>
      %dma_start3A_395 = arith.constant 0 : i32
      %dma_start3A_396 = tpu.memref_slice %arg4[%add3A_387, %dma_start3A_395] : memref<16384x2048xf32, #tpu.memory_space<hbm>> -> memref<8x2048xf32, #tpu.memory_space<hbm>>
      %dma_start3A_397 = arith.constant 0 : i32
      %dma_start3A_398 = arith.constant 0 : i32
      %dma_start3A_399 = tpu.memref_slice %arg6[%dma_start3A_388, %dma_start3A_397, %dma_start3A_398] : memref<7x8x2048xf32, #tpu.memory_space<vmem>> -> memref<1x8x2048xf32, #tpu.memory_space<vmem>>
      %dma_start3A_400 = tpu.memref_squeeze %dma_start3A_399 : memref<1x8x2048xf32, #tpu.memory_space<vmem>> -> memref<8x2048xf32, #tpu.memory_space<vmem>>
      tpu.enqueue_dma source(%dma_start3A_400 : memref<8x2048xf32, #tpu.memory_space<vmem>>) target(%dma_start3A_396 : memref<8x2048xf32, #tpu.memory_space<hbm>>) target_semaphore(%arg19 : memref<!tpu.dma_semaphore, #tpu.memory_space<semaphore_mem>>)
      %add3A_401 = arith.constant 6 : i32
      %add3A_402 = arith.addi %add3A_134, %add3A_401 : i32
      %dma_wait3A_403 = arith.constant 6 : i32
      %dma_wait3A_404 = arith.constant 0 : i32
      %dma_wait3A_405 = arith.constant 0 : i32
      %dma_wait3A_406 = tpu.memref_slice %arg6[%dma_wait3A_403, %dma_wait3A_404, %dma_wait3A_405] : memref<7x8x2048xf32, #tpu.memory_space<vmem>> -> memref<1x8x2048xf32, #tpu.memory_space<vmem>>
      %dma_wait3A_407 = tpu.memref_squeeze %dma_wait3A_406 : memref<1x8x2048xf32, #tpu.memory_space<vmem>> -> memref<8x2048xf32, #tpu.memory_space<vmem>>
      %dma_wait3A_408 = arith.constant 0 : i32
      %dma_wait3A_409 = arith.constant 0 : i32
      %dma_wait3A_410 = tpu.memref_slice %arg3[%dma_wait3A_408, %dma_wait3A_409] : memref<16384x2048xf32, #tpu.memory_space<hbm>> -> memref<8x2048xf32, #tpu.memory_space<hbm>>
      %dma_wait3A_411 = arith.constant 0 : i32
      %dma_wait3A_412 = arith.constant 0 : i32
      %dma_wait3A_413 = tpu.memref_slice %arg6[%dma_wait3A_403, %dma_wait3A_411, %dma_wait3A_412] : memref<7x8x2048xf32, #tpu.memory_space<vmem>> -> memref<1x8x2048xf32, #tpu.memory_space<vmem>>
      %dma_wait3A_414 = tpu.memref_squeeze %dma_wait3A_413 : memref<1x8x2048xf32, #tpu.memory_space<vmem>> -> memref<8x2048xf32, #tpu.memory_space<vmem>>
      %dma_wait3A_415 = arith.constant 0 : i32
      %dma_wait3A_416 = arith.constant 0 : i32
      %dma_wait3A_417 = tpu.memref_slice %arg3[%dma_wait3A_415, %dma_wait3A_416] : memref<16384x2048xf32, #tpu.memory_space<hbm>> -> memref<8x2048xf32, #tpu.memory_space<hbm>>
      tpu.wait_dma2 semaphore(%arg13 : memref<!tpu.dma_semaphore, #tpu.memory_space<semaphore_mem>>) src(%dma_wait3A_417 : memref<8x2048xf32, #tpu.memory_space<hbm>>) dst(%dma_wait3A_414 : memref<8x2048xf32, #tpu.memory_space<vmem>>)
      %ge3A_418 = arith.constant 2 : i32
      %ge3A_419 = arith.cmpi sge, %add3A_402, %ge3A_418 : i32
      %convert_element_type3A_420 = arith.extui %ge3A_419 : i1 to i32
      %cond3A_421 = arith.constant 0 : i32
      %cond3A_422 = arith.cmpi ne, %convert_element_type3A_420, %cond3A_421 : i32
      scf.if %cond3A_422 {
        %dma_wait3A_446 = arith.constant 4 : i32
        %dma_wait3A_447 = arith.constant 0 : i32
        %dma_wait3A_448 = arith.constant 0 : i32
        %dma_wait3A_449 = tpu.memref_slice %arg6[%dma_wait3A_446, %dma_wait3A_447, %dma_wait3A_448] : memref<7x8x2048xf32, #tpu.memory_space<vmem>> -> memref<1x8x2048xf32, #tpu.memory_space<vmem>>
        %dma_wait3A_450 = tpu.memref_squeeze %dma_wait3A_449 : memref<1x8x2048xf32, #tpu.memory_space<vmem>> -> memref<8x2048xf32, #tpu.memory_space<vmem>>
        %dma_wait3A_451 = arith.constant 0 : i32
        %dma_wait3A_452 = arith.constant 0 : i32
        %dma_wait3A_453 = tpu.memref_slice %arg4[%dma_wait3A_451, %dma_wait3A_452] : memref<16384x2048xf32, #tpu.memory_space<hbm>> -> memref<8x2048xf32, #tpu.memory_space<hbm>>
        %dma_wait3A_454 = arith.constant 0 : i32
        %dma_wait3A_455 = arith.constant 0 : i32
        %dma_wait3A_456 = tpu.memref_slice %arg4[%dma_wait3A_454, %dma_wait3A_455] : memref<16384x2048xf32, #tpu.memory_space<hbm>> -> memref<8x2048xf32, #tpu.memory_space<hbm>>
        %dma_wait3A_457 = arith.constant 0 : i32
        %dma_wait3A_458 = arith.constant 0 : i32
        %dma_wait3A_459 = tpu.memref_slice %arg6[%dma_wait3A_446, %dma_wait3A_457, %dma_wait3A_458] : memref<7x8x2048xf32, #tpu.memory_space<vmem>> -> memref<1x8x2048xf32, #tpu.memory_space<vmem>>
        %dma_wait3A_460 = tpu.memref_squeeze %dma_wait3A_459 : memref<1x8x2048xf32, #tpu.memory_space<vmem>> -> memref<8x2048xf32, #tpu.memory_space<vmem>>
        tpu.wait_dma2 semaphore(%arg18 : memref<!tpu.dma_semaphore, #tpu.memory_space<semaphore_mem>>) src(%dma_wait3A_460 : memref<8x2048xf32, #tpu.memory_space<vmem>>) dst(%dma_wait3A_456 : memref<8x2048xf32, #tpu.memory_space<hbm>>)
      } else {
      }
      %add3A_423 = arith.constant 5 : i32
      %add3A_424 = arith.addi %add3A_402, %add3A_423 : i32
      %lt3A_425 = arith.constant 64 : i32
      %lt3A_426 = arith.cmpi slt, %add3A_424, %lt3A_425 : i32
      %convert_element_type3A_427 = arith.extui %lt3A_426 : i1 to i32
      %cond3A_428 = arith.constant 0 : i32
      %cond3A_429 = arith.cmpi ne, %convert_element_type3A_427, %cond3A_428 : i32
      scf.if %cond3A_429 {
        %add3A_446 = arith.constant 5 : i32
        %add3A_447 = arith.addi %add3A_402, %add3A_446 : i32
        %mul3A_448 = arith.constant 8 : i32
        %mul3A_449 = arith.muli %add3A_447, %mul3A_448 : i32
        %dma_start3A_450 = arith.constant 4 : i32
        %dma_start3A_451 = arith.constant 0 : i32
        %dma_start3A_452 = arith.constant 0 : i32
        %dma_start3A_453 = tpu.memref_slice %arg6[%dma_start3A_450, %dma_start3A_451, %dma_start3A_452] : memref<7x8x2048xf32, #tpu.memory_space<vmem>> -> memref<1x8x2048xf32, #tpu.memory_space<vmem>>
        %dma_start3A_454 = tpu.memref_squeeze %dma_start3A_453 : memref<1x8x2048xf32, #tpu.memory_space<vmem>> -> memref<8x2048xf32, #tpu.memory_space<vmem>>
        %dma_start3A_455 = tpu.memref_slice %arg5[%mul3A_449] : memref<512xi32, #tpu.memory_space<vmem>> -> memref<8xi32, #tpu.memory_space<vmem>>
        %dma_start3A_456 = arith.constant 0 : i32
        %dma_start3A_457 = arith.constant 0 : i32
        %dma_start3A_458 = tpu.memref_slice %arg3[%dma_start3A_456, %dma_start3A_457] : memref<16384x2048xf32, #tpu.memory_space<hbm>> -> memref<16384x2048xf32, #tpu.memory_space<hbm>>
        tpu.enqueue_indirect_dma source(%dma_start3A_458 : memref<16384x2048xf32, #tpu.memory_space<hbm>>) target(%dma_start3A_454 : memref<8x2048xf32, #tpu.memory_space<vmem>>) offsets(%dma_start3A_455 : memref<8xi32, #tpu.memory_space<vmem>>) semaphore(%arg11 : memref<!tpu.dma_semaphore, #tpu.memory_space<semaphore_mem>>)
      } else {
      }
      %mul3A_430 = arith.constant 8 : i32
      %mul3A_431 = arith.muli %add3A_402, %mul3A_430 : i32
      %add3A_432 = arith.addi %mul3A_2, %mul3A_431 : i32
      %dma_start3A_433 = arith.constant 6 : i32
      %dma_start3A_434 = arith.constant 0 : i32
      %dma_start3A_435 = arith.constant 0 : i32
      %dma_start3A_436 = tpu.memref_slice %arg6[%dma_start3A_433, %dma_start3A_434, %dma_start3A_435] : memref<7x8x2048xf32, #tpu.memory_space<vmem>> -> memref<1x8x2048xf32, #tpu.memory_space<vmem>>
      %dma_start3A_437 = tpu.memref_squeeze %dma_start3A_436 : memref<1x8x2048xf32, #tpu.memory_space<vmem>> -> memref<8x2048xf32, #tpu.memory_space<vmem>>
      %dma_start3A_438 = arith.constant 0 : i32
      %dma_start3A_439 = tpu.memref_slice %arg4[%add3A_432, %dma_start3A_438] : memref<16384x2048xf32, #tpu.memory_space<hbm>> -> memref<8x2048xf32, #tpu.memory_space<hbm>>
      %dma_start3A_440 = arith.constant 0 : i32
      %dma_start3A_441 = tpu.memref_slice %arg4[%add3A_432, %dma_start3A_440] : memref<16384x2048xf32, #tpu.memory_space<hbm>> -> memref<8x2048xf32, #tpu.memory_space<hbm>>
      %dma_start3A_442 = arith.constant 0 : i32
      %dma_start3A_443 = arith.constant 0 : i32
      %dma_start3A_444 = tpu.memref_slice %arg6[%dma_start3A_433, %dma_start3A_442, %dma_start3A_443] : memref<7x8x2048xf32, #tpu.memory_space<vmem>> -> memref<1x8x2048xf32, #tpu.memory_space<vmem>>
      %dma_start3A_445 = tpu.memref_squeeze %dma_start3A_444 : memref<1x8x2048xf32, #tpu.memory_space<vmem>> -> memref<8x2048xf32, #tpu.memory_space<vmem>>
      tpu.enqueue_dma source(%dma_start3A_445 : memref<8x2048xf32, #tpu.memory_space<vmem>>) target(%dma_start3A_441 : memref<8x2048xf32, #tpu.memory_space<hbm>>) target_semaphore(%arg20 : memref<!tpu.dma_semaphore, #tpu.memory_space<semaphore_mem>>)
    }
    %scan3A_55 = arith.constant 9 : i32
    %dma_wait3A = arith.constant 0 : i32
    %dma_wait3A_56 = arith.constant 0 : i32
    %dma_wait3A_57 = arith.constant 0 : i32
    %dma_wait3A_58 = tpu.memref_slice %arg6[%dma_wait3A, %dma_wait3A_56, %dma_wait3A_57] : memref<7x8x2048xf32, #tpu.memory_space<vmem>> -> memref<1x8x2048xf32, #tpu.memory_space<vmem>>
    %dma_wait3A_59 = tpu.memref_squeeze %dma_wait3A_58 : memref<1x8x2048xf32, #tpu.memory_space<vmem>> -> memref<8x2048xf32, #tpu.memory_space<vmem>>
    %dma_wait3A_60 = arith.constant 0 : i32
    %dma_wait3A_61 = arith.constant 0 : i32
    %dma_wait3A_62 = tpu.memref_slice %arg3[%dma_wait3A_60, %dma_wait3A_61] : memref<16384x2048xf32, #tpu.memory_space<hbm>> -> memref<8x2048xf32, #tpu.memory_space<hbm>>
    %dma_wait3A_63 = arith.constant 0 : i32
    %dma_wait3A_64 = arith.constant 0 : i32
    %dma_wait3A_65 = tpu.memref_slice %arg6[%dma_wait3A, %dma_wait3A_63, %dma_wait3A_64] : memref<7x8x2048xf32, #tpu.memory_space<vmem>> -> memref<1x8x2048xf32, #tpu.memory_space<vmem>>
    %dma_wait3A_66 = tpu.memref_squeeze %dma_wait3A_65 : memref<1x8x2048xf32, #tpu.memory_space<vmem>> -> memref<8x2048xf32, #tpu.memory_space<vmem>>
    %dma_wait3A_67 = arith.constant 0 : i32
    %dma_wait3A_68 = arith.constant 0 : i32
    %dma_wait3A_69 = tpu.memref_slice %arg3[%dma_wait3A_67, %dma_wait3A_68] : memref<16384x2048xf32, #tpu.memory_space<hbm>> -> memref<8x2048xf32, #tpu.memory_space<hbm>>
    tpu.wait_dma2 semaphore(%arg7 : memref<!tpu.dma_semaphore, #tpu.memory_space<semaphore_mem>>) src(%dma_wait3A_69 : memref<8x2048xf32, #tpu.memory_space<hbm>>) dst(%dma_wait3A_66 : memref<8x2048xf32, #tpu.memory_space<vmem>>)
    %dma_wait3A_70 = arith.constant 5 : i32
    %dma_wait3A_71 = arith.constant 0 : i32
    %dma_wait3A_72 = arith.constant 0 : i32
    %dma_wait3A_73 = tpu.memref_slice %arg6[%dma_wait3A_70, %dma_wait3A_71, %dma_wait3A_72] : memref<7x8x2048xf32, #tpu.memory_space<vmem>> -> memref<1x8x2048xf32, #tpu.memory_space<vmem>>
    %dma_wait3A_74 = tpu.memref_squeeze %dma_wait3A_73 : memref<1x8x2048xf32, #tpu.memory_space<vmem>> -> memref<8x2048xf32, #tpu.memory_space<vmem>>
    %dma_wait3A_75 = arith.constant 0 : i32
    %dma_wait3A_76 = arith.constant 0 : i32
    %dma_wait3A_77 = tpu.memref_slice %arg4[%dma_wait3A_75, %dma_wait3A_76] : memref<16384x2048xf32, #tpu.memory_space<hbm>> -> memref<8x2048xf32, #tpu.memory_space<hbm>>
    %dma_wait3A_78 = arith.constant 0 : i32
    %dma_wait3A_79 = arith.constant 0 : i32
    %dma_wait3A_80 = tpu.memref_slice %arg4[%dma_wait3A_78, %dma_wait3A_79] : memref<16384x2048xf32, #tpu.memory_space<hbm>> -> memref<8x2048xf32, #tpu.memory_space<hbm>>
    %dma_wait3A_81 = arith.constant 0 : i32
    %dma_wait3A_82 = arith.constant 0 : i32
    %dma_wait3A_83 = tpu.memref_slice %arg6[%dma_wait3A_70, %dma_wait3A_81, %dma_wait3A_82] : memref<7x8x2048xf32, #tpu.memory_space<vmem>> -> memref<1x8x2048xf32, #tpu.memory_space<vmem>>
    %dma_wait3A_84 = tpu.memref_squeeze %dma_wait3A_83 : memref<1x8x2048xf32, #tpu.memory_space<vmem>> -> memref<8x2048xf32, #tpu.memory_space<vmem>>
    tpu.wait_dma2 semaphore(%arg19 : memref<!tpu.dma_semaphore, #tpu.memory_space<semaphore_mem>>) src(%dma_wait3A_84 : memref<8x2048xf32, #tpu.memory_space<vmem>>) dst(%dma_wait3A_80 : memref<8x2048xf32, #tpu.memory_space<hbm>>)
    %add3A_85 = arith.constant 504 : i32
    %add3A_86 = arith.addi %mul3A_2, %add3A_85 : i32
    %dma_start3A_87 = arith.constant 0 : i32
    %dma_start3A_88 = arith.constant 0 : i32
    %dma_start3A_89 = arith.constant 0 : i32
    %dma_start3A_90 = tpu.memref_slice %arg6[%dma_start3A_87, %dma_start3A_88, %dma_start3A_89] : memref<7x8x2048xf32, #tpu.memory_space<vmem>> -> memref<1x8x2048xf32, #tpu.memory_space<vmem>>
    %dma_start3A_91 = tpu.memref_squeeze %dma_start3A_90 : memref<1x8x2048xf32, #tpu.memory_space<vmem>> -> memref<8x2048xf32, #tpu.memory_space<vmem>>
    %dma_start3A_92 = arith.constant 0 : i32
    %dma_start3A_93 = tpu.memref_slice %arg4[%add3A_86, %dma_start3A_92] : memref<16384x2048xf32, #tpu.memory_space<hbm>> -> memref<8x2048xf32, #tpu.memory_space<hbm>>
    %dma_start3A_94 = arith.constant 0 : i32
    %dma_start3A_95 = tpu.memref_slice %arg4[%add3A_86, %dma_start3A_94] : memref<16384x2048xf32, #tpu.memory_space<hbm>> -> memref<8x2048xf32, #tpu.memory_space<hbm>>
    %dma_start3A_96 = arith.constant 0 : i32
    %dma_start3A_97 = arith.constant 0 : i32
    %dma_start3A_98 = tpu.memref_slice %arg6[%dma_start3A_87, %dma_start3A_96, %dma_start3A_97] : memref<7x8x2048xf32, #tpu.memory_space<vmem>> -> memref<1x8x2048xf32, #tpu.memory_space<vmem>>
    %dma_start3A_99 = tpu.memref_squeeze %dma_start3A_98 : memref<1x8x2048xf32, #tpu.memory_space<vmem>> -> memref<8x2048xf32, #tpu.memory_space<vmem>>
    tpu.enqueue_dma source(%dma_start3A_99 : memref<8x2048xf32, #tpu.memory_space<vmem>>) target(%dma_start3A_95 : memref<8x2048xf32, #tpu.memory_space<hbm>>) target_semaphore(%arg14 : memref<!tpu.dma_semaphore, #tpu.memory_space<semaphore_mem>>)
    %dma_wait3A_100 = arith.constant 6 : i32
    %dma_wait3A_101 = arith.constant 0 : i32
    %dma_wait3A_102 = arith.constant 0 : i32
    %dma_wait3A_103 = tpu.memref_slice %arg6[%dma_wait3A_100, %dma_wait3A_101, %dma_wait3A_102] : memref<7x8x2048xf32, #tpu.memory_space<vmem>> -> memref<1x8x2048xf32, #tpu.memory_space<vmem>>
    %dma_wait3A_104 = tpu.memref_squeeze %dma_wait3A_103 : memref<1x8x2048xf32, #tpu.memory_space<vmem>> -> memref<8x2048xf32, #tpu.memory_space<vmem>>
    %dma_wait3A_105 = arith.constant 0 : i32
    %dma_wait3A_106 = arith.constant 0 : i32
    %dma_wait3A_107 = tpu.memref_slice %arg4[%dma_wait3A_105, %dma_wait3A_106] : memref<16384x2048xf32, #tpu.memory_space<hbm>> -> memref<8x2048xf32, #tpu.memory_space<hbm>>
    %dma_wait3A_108 = arith.constant 0 : i32
    %dma_wait3A_109 = arith.constant 0 : i32
    %dma_wait3A_110 = tpu.memref_slice %arg4[%dma_wait3A_108, %dma_wait3A_109] : memref<16384x2048xf32, #tpu.memory_space<hbm>> -> memref<8x2048xf32, #tpu.memory_space<hbm>>
    %dma_wait3A_111 = arith.constant 0 : i32
    %dma_wait3A_112 = arith.constant 0 : i32
    %dma_wait3A_113 = tpu.memref_slice %arg6[%dma_wait3A_100, %dma_wait3A_111, %dma_wait3A_112] : memref<7x8x2048xf32, #tpu.memory_space<vmem>> -> memref<1x8x2048xf32, #tpu.memory_space<vmem>>
    %dma_wait3A_114 = tpu.memref_squeeze %dma_wait3A_113 : memref<1x8x2048xf32, #tpu.memory_space<vmem>> -> memref<8x2048xf32, #tpu.memory_space<vmem>>
    tpu.wait_dma2 semaphore(%arg20 : memref<!tpu.dma_semaphore, #tpu.memory_space<semaphore_mem>>) src(%dma_wait3A_114 : memref<8x2048xf32, #tpu.memory_space<vmem>>) dst(%dma_wait3A_110 : memref<8x2048xf32, #tpu.memory_space<hbm>>)
    %dma_wait3A_115 = arith.constant 0 : i32
    %dma_wait3A_116 = arith.constant 0 : i32
    %dma_wait3A_117 = arith.constant 0 : i32
    %dma_wait3A_118 = tpu.memref_slice %arg6[%dma_wait3A_115, %dma_wait3A_116, %dma_wait3A_117] : memref<7x8x2048xf32, #tpu.memory_space<vmem>> -> memref<1x8x2048xf32, #tpu.memory_space<vmem>>
    %dma_wait3A_119 = tpu.memref_squeeze %dma_wait3A_118 : memref<1x8x2048xf32, #tpu.memory_space<vmem>> -> memref<8x2048xf32, #tpu.memory_space<vmem>>
    %dma_wait3A_120 = arith.constant 0 : i32
    %dma_wait3A_121 = arith.constant 0 : i32
    %dma_wait3A_122 = tpu.memref_slice %arg4[%dma_wait3A_120, %dma_wait3A_121] : memref<16384x2048xf32, #tpu.memory_space<hbm>> -> memref<8x2048xf32, #tpu.memory_space<hbm>>
    %dma_wait3A_123 = arith.constant 0 : i32
    %dma_wait3A_124 = arith.constant 0 : i32
    %dma_wait3A_125 = tpu.memref_slice %arg4[%dma_wait3A_123, %dma_wait3A_124] : memref<16384x2048xf32, #tpu.memory_space<hbm>> -> memref<8x2048xf32, #tpu.memory_space<hbm>>
    %dma_wait3A_126 = arith.constant 0 : i32
    %dma_wait3A_127 = arith.constant 0 : i32
    %dma_wait3A_128 = tpu.memref_slice %arg6[%dma_wait3A_115, %dma_wait3A_126, %dma_wait3A_127] : memref<7x8x2048xf32, #tpu.memory_space<vmem>> -> memref<1x8x2048xf32, #tpu.memory_space<vmem>>
    %dma_wait3A_129 = tpu.memref_squeeze %dma_wait3A_128 : memref<1x8x2048xf32, #tpu.memory_space<vmem>> -> memref<8x2048xf32, #tpu.memory_space<vmem>>
    tpu.wait_dma2 semaphore(%arg14 : memref<!tpu.dma_semaphore, #tpu.memory_space<semaphore_mem>>) src(%dma_wait3A_129 : memref<8x2048xf32, #tpu.memory_space<vmem>>) dst(%dma_wait3A_125 : memref<8x2048xf32, #tpu.memory_space<hbm>>)
    return
  }
}

</mosaic_0001>

<sc_bundles>
// kernel: kernel.3.cloned.1.call-start
scs
__scs_entry_jumppad:
0x0: {  	(pc) =	sbr.rel $0x88, $3  }
0x1: {  	(tag) =	ssettag $0x0;
	lr =	simm.s32 $0x1  }
0x2: {  	[smem:$0x3F9F] =	sst lr;
	_ =	strace $0xD0000000  }
0x3: {  	_ = 	snop  }
0x4: {  	_ = 	snop  }
0x5: {  	_ = 	snop  }
0x6: {  	_ = 	snop  }
0x7: {  	_ = 	snop  }
__scs_overlays_trampoline_lowered:
0x8: {  	[smem:$0x3FAE] =	sst s0  }
0x9: {  	[smem:$0x3FAF] =	sst s1  }
0xa: {  	[smem:$0x3FB0] =	sst s2  }
0xb: {  	[smem:$0x3FB1] =	sst s3  }
0xc: {  	[smem:$0x3FB2] =	sst s4  }
0xd: {  	[smem:$0x3FB3] =	sst s5  }
0xe: {  	[smem:$0x3FB4] =	sst s6  }
0xf: {  	[smem:$0x3FB5] =	sst s7  }
0x10: {  	[smem:$0x3FB6] =	sst s8  }
0x11: {  	[smem:$0x3FB7] =	sst s9;
	s0 =	simm.s32 @!p0 $0x0  }
0x12: {  	s1 =	sld [smem:$0x3F9D];
	s0 =	simm.s32 @p0 $0x1  }
0x13: {  	[smem:$0x3FB8] =	sst s0;
	s0 =	simm.s32 @!p1 $0x0  }
0x14: {  	s2 =	sld [smem:$0x3F9C];
	s0 =	simm.s32 @p1 $0x1  }
0x15: {  	[smem:$0x3FB9] =	sst s0;
	s0 =	simm.s32 @!p2 $0x0  }
0x16: {  	s3 =	sld [smem:$0x3FDB];
	s0 =	simm.s32 @p2 $0x1  }
0x17: {  	s4 =	simm.s32 $0x1BF5;
	[smem:$0x3FBB] =	sst s0  }
0x18: {  	s0 =	sld [smem:$0x3F9E];
	_ =	swait.ge [sflag:s4], $0x0  }
0x19: {  	s7 =	sld [smem:$0x3F9F]  }
0x1a: {  	s8 =	sadd.s32 $0xFFFFE003, lr  }
0x1b: {  	s9 =	sadd.s32 $0xFFFFFEF7, lr;
	s5 =	simm.s32 $0xFFFFFFFF;
	p2 =	slt.u32 s8, $0xFFFFF086  }
0x1c: {  	p1 =	slt.u32 s9, $0xF7A;
	s5 =	simm.s32 @!p2 $0x0  }
0x1d: {  	s5 =	simm.s32 @p1 $0x1;
	p0 =	seq.s32 s7, s2  }
0x1e: {  	s7 =	smul.u32 @!p0 $0xF7A, s2;
	p2 =	seq.s32 @!p0 s5, $0x0  }
0x1f: {  	s9 =	smul.u32 $0xF7A, s1;
	s8 =	simm.s32 @!p0 $0x1BF5;
	p2 =	por !p2, p0  }
0x20: {  	[sflag:s8] =	ssyncset.s32 @!p0 $0xFFFFF086;
	s6 =	sadd.s32 @!p0 s3, s7;
	s7 =	simm.s32 @!p0 $0x108  }
0x21: {  	s3 =	sadd.s32 s3, s9;
	s6 =	sadd.s32 @!p0 $0x88, s6;
	s7 =	simm.s32 @p2 $0x1082  }
0x22: {  	[simem:s7], [sflag:s8] =	dma.local @!p0 [hbm:s6], $0xF7A  }
0x23: {  	s9 =	sor.u32 $0xD0000000, s2;
	s6 =	simm.s32 $0x108;
	_ =	swait.ge @!p0 [sflag:s8], $0x0  }
0x24: {  	s3 =	sadd.s32 $0x88, s3;
	s6 =	simm.s32 @!p1 $0x1082;
	[sflag:s4] =	ssyncset.s32 $0xFFFFF086  }
0x25: {  	[simem:s6], [sflag:s4] =	dma.local [hbm:s3], $0xF7A  }
0x26: {  	[smem:$0x3F9F] =	sst s1;
	(tag) =	ssettag s2;
	_ =	strace s9  }
0x27: {  	s1 =	sld [smem:$0x3FAF]  }
0x28: {  	s2 =	sld [smem:$0x3FB0]  }
0x29: {  	s4 =	sld [smem:$0x3FB2]  }
0x2a: {  	p0 =	seq.s32 s5, $0x0;
	s5 =	sld [smem:$0x3FB3]  }
0x2b: {  	s6 =	sld [smem:$0x3FB4]  }
0x2c: {  	s7 =	sld [smem:$0x3FB5]  }
0x2d: {  	s3 =	simm.s32 $0x108;
	s8 =	sld [smem:$0x3FB6]  }
0x2e: {  	s3 =	simm.s32 @!p0 $0x1082;
	s9 =	sld [smem:$0x3FB7]  }
0x2f: {  	lr =	sadd.s32 s0, s3;
	s0 =	sld [smem:$0x3FAE]  }
0x30: {  	s3 =	sld [smem:$0x3FB1]  }
0x31: {  	[smem:$0x3FBA] =	sst s10  }
0x32: {  	s10 =	sld [smem:$0x3FB8];
	_ =	sdelay $0x3  }
0x33: {  	p0 =	seq.s32 s10, $0x1;
	s10 =	sld [smem:$0x3FBA];
	_ =	sdelay $0x3  }
0x34: {  	[smem:$0x3FBA] =	sst s10  }
0x35: {  	s10 =	sld [smem:$0x3FB9];
	_ =	sdelay $0x3  }
0x36: {  	p1 =	seq.s32 s10, $0x1;
	s10 =	sld [smem:$0x3FBA];
	_ =	sdelay $0x3  }
0x37: {  	[smem:$0x3FBA] =	sst s10  }
0x38: {  	s10 =	sld [smem:$0x3FBB]  }
0x39: {  	_ = 	snop;
	(pc) =	sbr.ind lr, $3  }
0x3a: {  	_ = 	snop  }
0x3b: {  	_ = 	snop  }
0x3c: {  	p2 =	seq.s32 s10, $0x1;
	s10 =	sld [smem:$0x3FBA]  }
0x3d: {  	_ =	shalt  }
0x3e: {  	_ =	shalt  }
0x3f: {  	_ =	shalt  }
0x40: {  	_ =	shalt  }
0x41: {  	_ =	shalt  }
0x42: {  	_ =	shalt  }
0x43: {  	_ =	shalt  }
0x44: {  	_ =	shalt  }
0x45: {  	_ =	shalt  }
0x46: {  	_ =	shalt  }
0x47: {  	_ =	shalt  }
0x48: {  	_ =	shalt  }
0x49: {  	_ =	shalt  }
0x4a: {  	_ =	shalt  }
0x4b: {  	_ =	shalt  }
0x4c: {  	_ =	shalt  }
0x4d: {  	_ =	shalt  }
0x4e: {  	_ =	shalt  }
0x4f: {  	_ =	shalt  }
0x50: {  	_ =	shalt  }
0x51: {  	_ =	shalt  }
0x52: {  	_ =	shalt  }
0x53: {  	_ =	shalt  }
0x54: {  	_ =	shalt  }
0x55: {  	_ =	shalt  }
0x56: {  	_ =	shalt  }
0x57: {  	_ =	shalt  }
0x58: {  	_ =	shalt  }
0x59: {  	_ =	shalt  }
0x5a: {  	_ =	shalt  }
0x5b: {  	_ =	shalt  }
0x5c: {  	_ =	shalt  }
0x5d: {  	_ =	shalt  }
0x5e: {  	_ =	shalt  }
0x5f: {  	_ =	shalt  }
0x60: {  	_ =	shalt  }
0x61: {  	_ =	shalt  }
0x62: {  	_ =	shalt  }
0x63: {  	_ =	shalt  }
0x64: {  	_ =	shalt  }
0x65: {  	_ =	shalt  }
0x66: {  	_ =	shalt  }
0x67: {  	_ =	shalt  }
0x68: {  	_ =	shalt  }
0x69: {  	_ =	shalt  }
0x6a: {  	_ =	shalt  }
0x6b: {  	_ =	shalt  }
0x6c: {  	_ =	shalt  }
0x6d: {  	_ =	shalt  }
0x6e: {  	_ =	shalt  }
0x6f: {  	_ =	shalt  }
0x70: {  	_ =	shalt  }
0x71: {  	_ =	shalt  }
0x72: {  	_ =	shalt  }
0x73: {  	_ =	shalt  }
0x74: {  	_ =	shalt  }
0x75: {  	_ =	shalt  }
0x76: {  	_ =	shalt  }
0x77: {  	_ =	shalt  }
0x78: {  	_ =	shalt  }
0x79: {  	_ =	shalt  }
0x7a: {  	_ =	shalt  }
0x7b: {  	_ =	shalt  }
0x7c: {  	_ =	shalt  }
0x7d: {  	_ =	shalt  }
0x7e: {  	_ =	shalt  }
0x7f: {  	_ =	shalt  }
0x80: {  	_ =	shalt  }
0x81: {  	_ =	shalt  }
0x82: {  	_ =	shalt  }
0x83: {  	_ =	shalt  }
0x84: {  	_ =	shalt  }
0x85: {  	_ =	shalt  }
0x86: {  	_ =	shalt  }
0x87: {  	_ =	shalt  }
.Lfunc_end0:
.L_simem_size_0:
called_computation_lowered:
.L_overlay_start_0:
0x88: {  	s2 =	sld [smem:$0x3FD9]  }
0x89: {  	s3 =	sld [smem:$0x3FFE];
	_ =	sdelay $0x1  }
0x8a: {  	s1 =	srdreg.scid  }
0x8b: {  	s0 =	sand.u32 $0x1, s1  }
0x8c: {  	s18 =	sshll.u32 s0, $0xA;
	s2 =	sadd.s32 s3, s2  }
0x8d: {  	s2 =	sadd.s32 s2, s18  }
0x8e: {  	[smem:$0x3FC6] =	sst s2  }
0x8f: {  	_ = 	snop  }
0x90: {  	s2 =	sld [smem:$0x3FC9]  }
0x91: {  	s19 =	sld [smem:$0x3FC8]  }
0x92: {  	s4 =	sld [smem:$0x3FD0];
	(tm) =	ssettm $0x1  }
0x93: {  	s5 =	sld [smem:$0x3FFB];
	_ =	sdelay $0x3  }
0x94: {  	_ =	strace s5  }
0x95: {  	s5 =	sld [smem:$0x3FFC];
	_ =	sdelay $0x3  }
0x96: {  	_ =	strace s5  }
0x97: {  	s5 =	sld [smem:$0x3FFD];
	_ =	sdelay $0x3  }
0x98: {  	_ =	strace s5  }
0x99: {  	_ =	strace $0x8FFFFFFF  }
0x9a: {  	s20 =	sld [smem:$0x3FDB];
	_ =	sdelay $0x1  }
0x9b: {  	s6 =	simm.s32 $_scs_section_size  }
0x9c: {  	s7 =	simm.s32 $_size__tile_overlayer_lowered;
	s8 =	simm.s32 $_tile_overlayer_lowered  }
0x9d: {  	s23 =	simm.s32 $0x1BFF;
	s22 =	sshll.u32 s8, $0x1;
	s5 =	sadd.s32 s6, s20  }
0x9e: {  	s9 =	simm.s32 $0x0;
	s21 =	sshll.u32 s7, $0x1;
	s7 =	sadd.s32 s22, s5  }
0x9f: {  	[timem:s9], [sflag:s23] =	dma.local [hbm:s7], s21  }
0xa0: {  	_ =	swait.ge [sflag:s23], s21  }
0xa1: {  	s6 =	ssub.s32 $0x0, s21;
	[sflag:s23] =	ssyncset.done $0x0  }
0xa2: {  	[sflag:s23] =	ssyncadd.s32 s6;
	_ =	sdelay $0x1  }
0xa3: {  	s24 =	simm.s32 $0x1B8B  }
0xa4: {  	_ =	swait.ge [sflag:s24], $0x1  }
0xa5: {  	[sflag:s24] =	ssyncset.done $0x0  }
0xa6: {  	s25 =	simm.s32 $0x1B8E;
	[sflag:s24] =	ssyncadd.s32 $0xFFFFFFFF  }
0xa7: {  	s26 =	simm.s32 $execute0_lowered;
	[smem:$0x3FD2] =	sst s25  }
0xa8: {  	s6 =	sshll.u32 s26, $0x1;
	_ =	strace $0x80000046;
	[dreg:$0x1] =	wrdreg $0xFFFFFFFF  }
0xa9: {  	s28 =	simm.s32 $_size_execute0_lowered;
	s5 =	sadd.s32 s5, s6;
	[dreg:$0x0] =	wrdreg $0x0  }
0xaa: {  	s6 =	sshll.u32 s28, $0x1;
	[dreg:$0x2] =	wrdreg s5  }
0xab: {  	[dreg:$0x3] =	wrdreg s6  }
0xac: {  	[dreg:$0x4] =	wrdreg $0xC0  }
0xad: {  	_ =	task [dreg:s9], $0x5FFFF  }
0xae: {  	[dreg:$0x1] =	wrdreg $0xFFFFFFFF  }
0xaf: {  	[dreg:$0x0] =	wrdreg $0x60  }
0xb0: {  	[dreg:$0x2] =	wrdreg s2  }
0xb1: {  	[dreg:$0x3] =	wrdreg s19  }
0xb2: {  	[dreg:$0x4] =	wrdreg s4  }
0xb3: {  	[dreg:$0x5] =	wrdreg $0x9  }
0xb4: {  	_ =	task.clear_ibuf [dreg:s9], $0x6FFFF;
	_ =	strace $0x90000046  }
0xb5: {  	s29 =	simm.s32 $0x9;
	_ =	strace $0x80000048  }
0xb6: {  	_ =	swait.ge [sflag:s29], $0x1  }
0xb7: {  	[sflag:s29] =	ssyncadd.s32 $0xFFFFFFFF  }
0xb8: {  	_ =	strace $0x90000048  }
0xb9: {  	_ =	sfence  }
0xba: {  	s30 =	sld [smem:$0x0];
	_ =	sdelay $0x2  }
0xbb: {  	s31 =	sshll.u32 s1, $0xD;
	s1 =	sshrl.u32 s1, $0x2  }
0xbc: {  	s3 =	sand.u32 $0x4000, s31;
	s1 =	sadd.s32 s1, s30  }
0xbd: {  	s0 =	sor.u32 s3, s0;
	s1 =	sshll.u32 s1, $0x11  }
0xbe: {  	s0 =	sor.u32 s1, s0  }
0xbf: {  	s0 =	sadd.s32 $0x8F2B, s0  }
0xc0: {  	[sflag:s0] =	ssyncadd.remote.s32 $0x1  }
0xc1: {  	_ =	sfence.sel $0xFFFF  }
0xc2: {  	[dreg:$0x0] =	wrdreg $0xFFFFFFFF;
	(pc) =	sbr.abs _section_cstart, $3  }
0xc3: {  	[dreg:$0x1] =	wrdreg $0xFFFFFFFF  }
0xc4: {  	_ =	task.clear_ibuf [dreg:s9], $0x2FFFF;
	_ =	strace $0x9FFFFFFF  }
0xc5: {  	(tm) =	ssettm $0x7FFFFFFF  }
tec
execute0_lowered:
.L_overlay_start_1:
0x0: {  	(tag) =	ssettag $0x1  }
0x1: {  	s0 =	rddreg [dreg:$0x0]  }
0x2: {  	s2 =	rddreg [dreg:$0x1];
	s1 =	srdreg.scid  }
0x3: {  	s4 =	rddreg [dreg:$0x2];
	s8 =	stileid.u32  }
0x4: {  	s3 =	simm.s32 $0x0;
	s21 =	simm.s32 $0x14A00;
	s22 =	simm.s32 $0x15200  }
0x5: {  	s24 =	simm.s32 $0x15A00;
	s25 =	simm.s32 $0x16200;
	s26 =	simm.s32 $0x16A00  }
0x6: {  	s14 =	simm.s32 $0x17A00;
	s16 =	simm.s32 $0x200;
	s15 =	simm.s32 $0x18A00  }
0x7: {  	s17 =	simm.s32 $0x19200;
	s18 =	simm.s32 $0x19A00;
	[smem:$0x7FF] =	sst s3  }
0x8: {  	s28 =	simm.s32 $0x2A00;
	_ =	strace $0x80000047;
	[dreg:$0x5] =	wrdreg s21  }
0x9: {  	s31 =	simm.s32 $0x1;
	s29 =	simm.s32 $0x18200;
	[dreg:$0x6] =	wrdreg s22  }
0xa: {  	s30 =	simm.s32 $0x3;
	s1 =	sand.u32 $0x1, s1;
	[dreg:$0x7] =	wrdreg s24  }
0xb: {  	s5 =	sshll.u32 s8, $0xA;
	s20 =	sshll.u32 s8, $0x12;
	[dreg:$0x8] =	wrdreg s25  }
0xc: {  	s8 =	sadd.s32 $0x400, s2;
	s9 =	sadd.s32 $0x500, s2;
	[dreg:$0x9] =	wrdreg s26  }
0xd: {  	s10 =	sadd.s32 $0x600, s2;
	s11 =	sadd.s32 $0x700, s2;
	[dreg:$0xb] =	wrdreg s14  }
0xe: {  	s6 =	sshll.u32 s1, $0x9;
	s7 =	ssub.s32 $0x2, s1;
	[dreg:$0xc] =	wrdreg s15  }
0xf: {  	s1 =	sshll.u32 s1, $0x11;
	s22 =	simm.s32 $0xA00;
	[dreg:$0xd] =	wrdreg s17  }
0x10: {  	s24 =	simm.s32 $0x1A00;
	[dreg:$0xe] =	wrdreg s18;
	s25 =	simm.s32 $0x2200  }
0x11: {  	s21 =	simm.s32 $0x1B200;
	s26 =	simm.s32 $0x1BA00;
	s14 =	simm.s32 $0x9  }
0x12: {  	s15 =	simm.s32 $0x5;
	s17 =	simm.s32 $0xA;
	s18 =	simm.s32 $0x6  }
0x13: {  	s12 =	sor.u32 s6, s5;
	s19 =	sshrl.u32 s7, $0x1;
	[dreg:$0x11] =	wrdreg s21  }
0x14: {  	s5 =	sadd.s32 $0x100, s2;
	[dreg:$0x12] =	wrdreg s26;
	s26 =	simm.s32 $0x2  }
0x15: {  	s21 =	simm.s32 $0xC;
	s6 =	sshrl.u32 s12, $0x3;
	s13 =	ssub.s32 s7, s19  }
0x16: {  	s7 =	sadd.s32 $0x300, s2;
	s23 =	sshll.u32 s12, $0x8;
	s19 =	simm.s32 $0x1A200  }
0x17: {  	s0 =	sadd.s32 s0, s6;
	s12 =	sadd.s32 s23, s4;
	[dreg:$0xf] =	wrdreg s19  }
0x18: {  	[dreg:$0x13] =	wrdreg s0;
	s0 =	sadd.s32 s20, s4;
	s4 =	smax.u32 s13, $0x1  }
0x19: {  	s6 =	sadd.s32 $0x200, s2;
	s13 =	simm.s32 $0x17200;
	[dreg:$0x15] =	wrdreg s4  }
0x1a: {  	s23 =	simm.s32 $0x1200;
	s20 =	simm.s32 $0x1AA00;
	[dreg:$0xa] =	wrdreg s13  }
0x1b: {  	s19 =	simm.s32 $0xB;
	s0 =	sadd.s32 s1, s0;
	[dreg:$0x10] =	wrdreg s20  }
0x1c: {  	v0 =	vlaneseq.u32;
	s1 =	sadd.s32 $0x1F800, s12;
	s4 =	simm.s32 $0x8;
	[dreg:$0x4] =	wrdreg s0  }
0x1d: {  	v1 =	vshrl.u32 v0, $0x3;
	s13 =	simm.s32 $0x4;
	[dreg:$0x14] =	wrdreg s1;
	s1 =	simm.s32 $0x0  }
0x1e: {  	vm0 =	vmmov $0xffff;
	v0 =	vand.u32 $0x7, v0;
	v1 =	vmul.u32 $0x8, v1;
	s20 =	simm.s32 $0x7;
	s0 =	simm.s32 $0x14200;
	[dreg:$0x16] =	wrdreg s1  }
.LBB2_1:
0x1f: {  	s1 =	rddreg [dreg:$0x13]  }
0x20: {  	[tilespmem:s3], [sflag:$0xF] =	stream.linear.gather [hbm4b:s1+s3], $0x200, $0x38;
	[tilespmem:$0x1C200] =	vst v63  }
0x21: {  	s1 =	simm.s32 $0xF  }
0x22: {  	_ =	swait.ge [sflag:s1], $0x200  }
0x23: {  	[sflag:s1] =	ssyncset.done $0x0  }
0x24: {  	[sflag:s1] =	ssyncadd.s32 $0xFFFFFE00  }
0x25: {  	v2 =	vld.msk [tilespmem:$0x0], $0xff;
	_ =	sdelay $0x4  }
0x26: {  	v3 =	vshll.u32 v2, $0x4  }
0x27: {  	v2 =	vand.u32 $0x7, v2;
	v3 =	vand.u32 $0xFFFFFF80, v3  }
0x28: {  	v2 =	vor.u32 v2, v3  }
0x29: {  	v2 =	vperm.xlane v2, v0;
	_ =	sdelay $0x1  }
0x2a: {  	v2 =	vadd.s32 v1, v2;
	_ =	sdelay $0x4  }
0x2b: {  	[tilespmem:s16], [sflag:$0x1] =	stream.indirect_vreg.gather [hbm4b:s2+s3], $0x80, v2, vm0, $0xb8;
	[tilespmem:$0x1C200] =	vst v63  }
0x2c: {  	_ = 	snop  }
0x2d: {  	[tilespmem:s22], [sflag:$0x1] =	stream.indirect_vreg.gather [hbm4b:s5+s3], $0x80, v2, vm0, $0xb8;
	[tilespmem:$0x1C200] =	vst v63  }
0x2e: {  	_ = 	snop  }
0x2f: {  	[tilespmem:s23], [sflag:$0x1] =	stream.indirect_vreg.gather [hbm4b:s6+s3], $0x80, v2, vm0, $0xb8;
	[tilespmem:$0x1C200] =	vst v63  }
0x30: {  	_ = 	snop  }
0x31: {  	[tilespmem:s24], [sflag:$0x1] =	stream.indirect_vreg.gather [hbm4b:s7+s3], $0x80, v2, vm0, $0xb8;
	[tilespmem:$0x1C200] =	vst v63  }
0x32: {  	_ = 	snop  }
0x33: {  	[tilespmem:s25], [sflag:$0x1] =	stream.indirect_vreg.gather [hbm4b:s8+s3], $0x80, v2, vm0, $0xb8;
	[tilespmem:$0x1C200] =	vst v63  }
0x34: {  	_ = 	snop  }
0x35: {  	[tilespmem:s28], [sflag:$0x1] =	stream.indirect_vreg.gather [hbm4b:s9+s3], $0x80, v2, vm0, $0xb8;
	[tilespmem:$0x1C200] =	vst v63  }
0x36: {  	s23 =	simm.s32 $0x3200  }
0x37: {  	[tilespmem:s23], [sflag:$0x1] =	stream.indirect_vreg.gather [hbm4b:s10+s3], $0x80, v2, vm0, $0xb8;
	[tilespmem:$0x1C200] =	vst v63  }
0x38: {  	s24 =	simm.s32 $0x3A00  }
0x39: {  	[tilespmem:s24], [sflag:$0x1] =	stream.indirect_vreg.gather [hbm4b:s11+s3], $0x80, v2, vm0, $0xb8;
	[tilespmem:$0x1C200] =	vst v63  }
0x3a: {  	v2 =	vld.msk [tilespmem:$0x8], $0xff;
	_ =	sdelay $0x4  }
0x3b: {  	v3 =	vshll.u32 v2, $0x4  }
0x3c: {  	v2 =	vand.u32 $0x7, v2;
	v3 =	vand.u32 $0xFFFFFF80, v3  }
0x3d: {  	v2 =	vor.u32 v2, v3  }
0x3e: {  	v2 =	vperm.xlane v2, v0;
	_ =	sdelay $0x1  }
0x3f: {  	v2 =	vadd.s32 v1, v2;
	_ =	sdelay $0x3  }
0x40: {  	s25 =	simm.s32 $0x4200  }
0x41: {  	[tilespmem:s25], [sflag:$0x2] =	stream.indirect_vreg.gather [hbm4b:s2+s3], $0x80, v2, vm0, $0xb8;
	[tilespmem:$0x1C200] =	vst v63  }
0x42: {  	s28 =	simm.s32 $0x4A00  }
0x43: {  	[tilespmem:s28], [sflag:$0x2] =	stream.indirect_vreg.gather [hbm4b:s5+s3], $0x80, v2, vm0, $0xb8;
	[tilespmem:$0x1C200] =	vst v63  }
0x44: {  	s22 =	simm.s32 $0x5200  }
0x45: {  	[tilespmem:s22], [sflag:$0x2] =	stream.indirect_vreg.gather [hbm4b:s6+s3], $0x80, v2, vm0, $0xb8;
	[tilespmem:$0x1C200] =	vst v63  }
0x46: {  	s23 =	simm.s32 $0x5A00  }
0x47: {  	[tilespmem:s23], [sflag:$0x2] =	stream.indirect_vreg.gather [hbm4b:s7+s3], $0x80, v2, vm0, $0xb8;
	[tilespmem:$0x1C200] =	vst v63  }
0x48: {  	s24 =	simm.s32 $0x6200  }
0x49: {  	[tilespmem:s24], [sflag:$0x2] =	stream.indirect_vreg.gather [hbm4b:s8+s3], $0x80, v2, vm0, $0xb8;
	[tilespmem:$0x1C200] =	vst v63  }
0x4a: {  	s25 =	simm.s32 $0x6A00  }
0x4b: {  	[tilespmem:s25], [sflag:$0x2] =	stream.indirect_vreg.gather [hbm4b:s9+s3], $0x80, v2, vm0, $0xb8;
	[tilespmem:$0x1C200] =	vst v63  }
0x4c: {  	s28 =	simm.s32 $0x7200  }
0x4d: {  	[tilespmem:s28], [sflag:$0x2] =	stream.indirect_vreg.gather [hbm4b:s10+s3], $0x80, v2, vm0, $0xb8;
	[tilespmem:$0x1C200] =	vst v63  }
0x4e: {  	s22 =	simm.s32 $0x7A00  }
0x4f: {  	[tilespmem:s22], [sflag:$0x2] =	stream.indirect_vreg.gather [hbm4b:s11+s3], $0x80, v2, vm0, $0xb8;
	[tilespmem:$0x1C200] =	vst v63  }
0x50: {  	v2 =	vld.msk [tilespmem:$0x10], $0xff;
	_ =	sdelay $0x4  }
0x51: {  	v3 =	vshll.u32 v2, $0x4  }
0x52: {  	v2 =	vand.u32 $0x7, v2;
	v3 =	vand.u32 $0xFFFFFF80, v3  }
0x53: {  	v2 =	vor.u32 v2, v3  }
0x54: {  	v2 =	vperm.xlane v2, v0;
	_ =	sdelay $0x1  }
0x55: {  	v2 =	vadd.s32 v1, v2;
	_ =	sdelay $0x3  }
0x56: {  	s23 =	simm.s32 $0x8200  }
0x57: {  	[tilespmem:s23], [sflag:$0x3] =	stream.indirect_vreg.gather [hbm4b:s2+s3], $0x80, v2, vm0, $0xb8;
	[tilespmem:$0x1C200] =	vst v63  }
0x58: {  	s24 =	simm.s32 $0x8A00  }
0x59: {  	[tilespmem:s24], [sflag:$0x3] =	stream.indirect_vreg.gather [hbm4b:s5+s3], $0x80, v2, vm0, $0xb8;
	[tilespmem:$0x1C200] =	vst v63  }
0x5a: {  	s25 =	simm.s32 $0x9200  }
0x5b: {  	[tilespmem:s25], [sflag:$0x3] =	stream.indirect_vreg.gather [hbm4b:s6+s3], $0x80, v2, vm0, $0xb8;
	[tilespmem:$0x1C200] =	vst v63  }
0x5c: {  	s28 =	simm.s32 $0x9A00  }
0x5d: {  	[tilespmem:s28], [sflag:$0x3] =	stream.indirect_vreg.gather [hbm4b:s7+s3], $0x80, v2, vm0, $0xb8;
	[tilespmem:$0x1C200] =	vst v63  }
0x5e: {  	s22 =	simm.s32 $0xA200  }
0x5f: {  	[tilespmem:s22], [sflag:$0x3] =	stream.indirect_vreg.gather [hbm4b:s8+s3], $0x80, v2, vm0, $0xb8;
	[tilespmem:$0x1C200] =	vst v63  }
0x60: {  	s23 =	simm.s32 $0xAA00  }
0x61: {  	[tilespmem:s23], [sflag:$0x3] =	stream.indirect_vreg.gather [hbm4b:s9+s3], $0x80, v2, vm0, $0xb8;
	[tilespmem:$0x1C200] =	vst v63  }
0x62: {  	s24 =	simm.s32 $0xB200  }
0x63: {  	[tilespmem:s24], [sflag:$0x3] =	stream.indirect_vreg.gather [hbm4b:s10+s3], $0x80, v2, vm0, $0xb8;
	[tilespmem:$0x1C200] =	vst v63  }
0x64: {  	s25 =	simm.s32 $0xBA00  }
0x65: {  	[tilespmem:s25], [sflag:$0x3] =	stream.indirect_vreg.gather [hbm4b:s11+s3], $0x80, v2, vm0, $0xb8;
	[tilespmem:$0x1C200] =	vst v63  }
0x66: {  	v2 =	vld.msk [tilespmem:$0x18], $0xff;
	_ =	sdelay $0x4  }
0x67: {  	v3 =	vshll.u32 v2, $0x4  }
0x68: {  	v2 =	vand.u32 $0x7, v2;
	v3 =	vand.u32 $0xFFFFFF80, v3  }
0x69: {  	v2 =	vor.u32 v2, v3  }
0x6a: {  	v2 =	vperm.xlane v2, v0;
	_ =	sdelay $0x1  }
0x6b: {  	v2 =	vadd.s32 v1, v2;
	_ =	sdelay $0x3  }
0x6c: {  	s28 =	simm.s32 $0xC200  }
0x6d: {  	[tilespmem:s28], [sflag:$0x4] =	stream.indirect_vreg.gather [hbm4b:s2+s3], $0x80, v2, vm0, $0xb8;
	[tilespmem:$0x1C200] =	vst v63  }
0x6e: {  	s22 =	simm.s32 $0xCA00  }
0x6f: {  	[tilespmem:s22], [sflag:$0x4] =	stream.indirect_vreg.gather [hbm4b:s5+s3], $0x80, v2, vm0, $0xb8;
	[tilespmem:$0x1C200] =	vst v63  }
0x70: {  	s23 =	simm.s32 $0xD200  }
0x71: {  	[tilespmem:s23], [sflag:$0x4] =	stream.indirect_vreg.gather [hbm4b:s6+s3], $0x80, v2, vm0, $0xb8;
	[tilespmem:$0x1C200] =	vst v63  }
0x72: {  	s24 =	simm.s32 $0xDA00  }
0x73: {  	[tilespmem:s24], [sflag:$0x4] =	stream.indirect_vreg.gather [hbm4b:s7+s3], $0x80, v2, vm0, $0xb8;
	[tilespmem:$0x1C200] =	vst v63  }
0x74: {  	s25 =	simm.s32 $0xE200  }
0x75: {  	[tilespmem:s25], [sflag:$0x4] =	stream.indirect_vreg.gather [hbm4b:s8+s3], $0x80, v2, vm0, $0xb8;
	[tilespmem:$0x1C200] =	vst v63  }
0x76: {  	s28 =	simm.s32 $0xEA00  }
0x77: {  	[tilespmem:s28], [sflag:$0x4] =	stream.indirect_vreg.gather [hbm4b:s9+s3], $0x80, v2, vm0, $0xb8;
	[tilespmem:$0x1C200] =	vst v63  }
0x78: {  	s22 =	simm.s32 $0xF200  }
0x79: {  	[tilespmem:s22], [sflag:$0x4] =	stream.indirect_vreg.gather [hbm4b:s10+s3], $0x80, v2, vm0, $0xb8;
	[tilespmem:$0x1C200] =	vst v63  }
0x7a: {  	s23 =	simm.s32 $0xFA00  }
0x7b: {  	[tilespmem:s23], [sflag:$0x4] =	stream.indirect_vreg.gather [hbm4b:s11+s3], $0x80, v2, vm0, $0xb8;
	[tilespmem:$0x1C200] =	vst v63  }
0x7c: {  	v2 =	vld.msk [tilespmem:$0x20], $0xff;
	_ =	sdelay $0x4  }
0x7d: {  	v3 =	vshll.u32 v2, $0x4  }
0x7e: {  	v2 =	vand.u32 $0x7, v2;
	v3 =	vand.u32 $0xFFFFFF80, v3  }
0x7f: {  	v2 =	vor.u32 v2, v3  }
0x80: {  	v2 =	vperm.xlane v2, v0;
	_ =	sdelay $0x1  }
0x81: {  	v2 =	vadd.s32 v1, v2;
	_ =	sdelay $0x3  }
0x82: {  	s24 =	simm.s32 $0x10200  }
0x83: {  	[tilespmem:s24], [sflag:$0x5] =	stream.indirect_vreg.gather [hbm4b:s2+s3], $0x80, v2, vm0, $0xb8;
	[tilespmem:$0x1C200] =	vst v63  }
0x84: {  	s25 =	simm.s32 $0x10A00  }
0x85: {  	[tilespmem:s25], [sflag:$0x5] =	stream.indirect_vreg.gather [hbm4b:s5+s3], $0x80, v2, vm0, $0xb8;
	[tilespmem:$0x1C200] =	vst v63  }
0x86: {  	s28 =	simm.s32 $0x11200  }
0x87: {  	[tilespmem:s28], [sflag:$0x5] =	stream.indirect_vreg.gather [hbm4b:s6+s3], $0x80, v2, vm0, $0xb8;
	[tilespmem:$0x1C200] =	vst v63  }
0x88: {  	s22 =	simm.s32 $0x11A00  }
0x89: {  	[tilespmem:s22], [sflag:$0x5] =	stream.indirect_vreg.gather [hbm4b:s7+s3], $0x80, v2, vm0, $0xb8;
	[tilespmem:$0x1C200] =	vst v63  }
0x8a: {  	s23 =	simm.s32 $0x12200  }
0x8b: {  	[tilespmem:s23], [sflag:$0x5] =	stream.indirect_vreg.gather [hbm4b:s8+s3], $0x80, v2, vm0, $0xb8;
	[tilespmem:$0x1C200] =	vst v63  }
0x8c: {  	s24 =	simm.s32 $0x12A00  }
0x8d: {  	[tilespmem:s24], [sflag:$0x5] =	stream.indirect_vreg.gather [hbm4b:s9+s3], $0x80, v2, vm0, $0xb8;
	[tilespmem:$0x1C200] =	vst v63  }
0x8e: {  	s25 =	simm.s32 $0x13200  }
0x8f: {  	[tilespmem:s25], [sflag:$0x5] =	stream.indirect_vreg.gather [hbm4b:s10+s3], $0x80, v2, vm0, $0xb8;
	[tilespmem:$0x1C200] =	vst v63  }
0x90: {  	s28 =	simm.s32 $0x13A00;
	s22 =	simm.s32 $0x58;
	s23 =	simm.s32 $0x0  }
0x91: {  	[tilespmem:s28], [sflag:$0x5] =	stream.indirect_vreg.gather [hbm4b:s11+s3], $0x80, v2, vm0, $0xb8;
	[tilespmem:$0x1C200] =	vst v63  }
.LBB2_2:
0x92: {  	_ =	swait.ge [sflag:s31], $0x4000  }
0x93: {  	p0 =	seq.s32 s23, $0x0;
	[sflag:s31] =	ssyncset.done $0x0  }
0x94: {  	s1 =	simm.s32 @!p0 $0xD;
	[sflag:s31] =	ssyncadd.s32 $0xFFFFC000  }
0x95: {  	_ =	swait.ge @!p0 [sflag:s1], $0x4000  }
0x96: {  	[sflag:s1] =	ssyncset.done @!p0 $0x0  }
0x97: {  	[sflag:s1] =	ssyncadd.s32 @!p0 $0xFFFFC000  }
0x98: {  	v2 =	vld.msk [tilespmem:s22+$0xFFFFFFD0], $0xff;
	_ =	sdelay $0x4  }
0x99: {  	v3 =	vshll.u32 v2, $0x4  }
0x9a: {  	v2 =	vand.u32 $0x7, v2;
	v3 =	vand.u32 $0xFFFFFF80, v3  }
0x9b: {  	v2 =	vor.u32 v2, v3  }
0x9c: {  	v2 =	vperm.xlane v2, v0;
	_ =	sdelay $0x1  }
0x9d: {  	v2 =	vadd.s32 v1, v2;
	_ =	sdelay $0x3  }
0x9e: {  	s28 =	rddreg [dreg:$0x5]  }
0x9f: {  	[tilespmem:s0], [sflag:$0x6] =	stream.indirect_vreg.gather [hbm4b:s2+s3], $0x80, v2, vm0, $0xb8;
	[tilespmem:$0x1C200] =	vst v63  }
0xa0: {  	s24 =	rddreg [dreg:$0x6]  }
0xa1: {  	[tilespmem:s28], [sflag:$0x6] =	stream.indirect_vreg.gather [hbm4b:s5+s3], $0x80, v2, vm0, $0xb8;
	[tilespmem:$0x1C200] =	vst v63  }
0xa2: {  	s25 =	rddreg [dreg:$0x7]  }
0xa3: {  	[tilespmem:s24], [sflag:$0x6] =	stream.indirect_vreg.gather [hbm4b:s6+s3], $0x80, v2, vm0, $0xb8;
	[tilespmem:$0x1C200] =	vst v63  }
0xa4: {  	s28 =	rddreg [dreg:$0x8]  }
0xa5: {  	[tilespmem:s25], [sflag:$0x6] =	stream.indirect_vreg.gather [hbm4b:s7+s3], $0x80, v2, vm0, $0xb8;
	[tilespmem:$0x1C200] =	vst v63  }
0xa6: {  	s24 =	rddreg [dreg:$0xb]  }
0xa7: {  	[tilespmem:s28], [sflag:$0x6] =	stream.indirect_vreg.gather [hbm4b:s8+s3], $0x80, v2, vm0, $0xb8;
	[tilespmem:$0x1C200] =	vst v63  }
0xa8: {  	s25 =	rddreg [dreg:$0x9]  }
0xa9: {  	[tilespmem:s25], [sflag:$0x6] =	stream.indirect_vreg.gather [hbm4b:s9+s3], $0x80, v2, vm0, $0xb8;
	[tilespmem:$0x1C200] =	vst v63  }
0xaa: {  	s28 =	rddreg [dreg:$0xa]  }
0xab: {  	[tilespmem:s28], [sflag:$0x6] =	stream.indirect_vreg.gather [hbm4b:s10+s3], $0x80, v2, vm0, $0xb8;
	[tilespmem:$0x1C200] =	vst v63  }
0xac: {  	s25 =	rddreg [dreg:$0x4]  }
0xad: {  	[tilespmem:s24], [sflag:$0x6] =	stream.indirect_vreg.gather [hbm4b:s11+s3], $0x80, v2, vm0, $0xb8;
	[tilespmem:$0x1C200] =	vst v63  }
0xae: {  	s1 =	sadd.s32 s23, s25  }
0xaf: {  	[hbm4b:s1+s3] =	stream.linear.scatter [tilespmem:s16], [sflag:$0x8], $0x4000, $0x38;
	[tilespmem:$0x1C200] =	vst v63  }
0xb0: {  	_ =	swait.ge [sflag:s26], $0x4000  }
0xb1: {  	[sflag:s26] =	ssyncset.done $0x0  }
0xb2: {  	s24 =	simm.s32 @!p0 $0xE;
	[sflag:s26] =	ssyncadd.s32 $0xFFFFC000  }
0xb3: {  	_ =	swait.ge @!p0 [sflag:s24], $0x4000  }
0xb4: {  	[sflag:s24] =	ssyncset.done @!p0 $0x0  }
0xb5: {  	[sflag:s24] =	ssyncadd.s32 @!p0 $0xFFFFC000  }
0xb6: {  	v2 =	vld.msk [tilespmem:s22+$0xFFFFFFD8], $0xff;
	_ =	sdelay $0x4  }
0xb7: {  	v3 =	vshll.u32 v2, $0x4  }
0xb8: {  	v2 =	vand.u32 $0x7, v2;
	v3 =	vand.u32 $0xFFFFFF80, v3  }
0xb9: {  	v2 =	vor.u32 v2, v3  }
0xba: {  	v2 =	vperm.xlane v2, v0;
	_ =	sdelay $0x1  }
0xbb: {  	v2 =	vadd.s32 v1, v2;
	_ =	sdelay $0x4  }
0xbc: {  	[tilespmem:s29], [sflag:$0x7] =	stream.indirect_vreg.gather [hbm4b:s2+s3], $0x80, v2, vm0, $0xb8;
	[tilespmem:$0x1C200] =	vst v63  }
0xbd: {  	s28 =	rddreg [dreg:$0xc]  }
0xbe: {  	[tilespmem:s28], [sflag:$0x7] =	stream.indirect_vreg.gather [hbm4b:s5+s3], $0x80, v2, vm0, $0xb8;
	[tilespmem:$0x1C200] =	vst v63  }
0xbf: {  	s25 =	rddreg [dreg:$0xd]  }
0xc0: {  	[tilespmem:s25], [sflag:$0x7] =	stream.indirect_vreg.gather [hbm4b:s6+s3], $0x80, v2, vm0, $0xb8;
	[tilespmem:$0x1C200] =	vst v63  }
0xc1: {  	s28 =	rddreg [dreg:$0xe]  }
0xc2: {  	[tilespmem:s28], [sflag:$0x7] =	stream.indirect_vreg.gather [hbm4b:s7+s3], $0x80, v2, vm0, $0xb8;
	[tilespmem:$0x1C200] =	vst v63  }
0xc3: {  	s25 =	rddreg [dreg:$0xf]  }
0xc4: {  	[tilespmem:s25], [sflag:$0x7] =	stream.indirect_vreg.gather [hbm4b:s8+s3], $0x80, v2, vm0, $0xb8;
	[tilespmem:$0x1C200] =	vst v63  }
0xc5: {  	s28 =	rddreg [dreg:$0x10]  }
0xc6: {  	[tilespmem:s28], [sflag:$0x7] =	stream.indirect_vreg.gather [hbm4b:s9+s3], $0x80, v2, vm0, $0xb8;
	[tilespmem:$0x1C200] =	vst v63  }
0xc7: {  	s25 =	rddreg [dreg:$0x11]  }
0xc8: {  	[tilespmem:s25], [sflag:$0x7] =	stream.indirect_vreg.gather [hbm4b:s10+s3], $0x80, v2, vm0, $0xb8;
	[tilespmem:$0x1C200] =	vst v63  }
0xc9: {  	s24 =	sadd.s32 s23, s12;
	s28 =	rddreg [dreg:$0x12]  }
0xca: {  	[tilespmem:s28], [sflag:$0x7] =	stream.indirect_vreg.gather [hbm4b:s11+s3], $0x80, v2, vm0, $0xb8;
	[tilespmem:$0x1C200] =	vst v63  }
0xcb: {  	s25 =	sadd.s32 $0x800, s24;
	s28 =	simm.s32 $0x4200  }
0xcc: {  	[hbm4b:s25+s3] =	stream.linear.scatter [tilespmem:s28], [sflag:$0x9], $0x4000, $0x38;
	[tilespmem:$0x1C200] =	vst v63  }
0xcd: {  	_ =	swait.ge [sflag:s30], $0x4000  }
0xce: {  	[sflag:s30] =	ssyncset.done $0x0  }
0xcf: {  	[sflag:s30] =	ssyncadd.s32 $0xFFFFC000  }
0xd0: {  	_ =	swait.ge [sflag:s4], $0x4000  }
0xd1: {  	[sflag:s4] =	ssyncset.done $0x0  }
0xd2: {  	[sflag:s4] =	ssyncadd.s32 $0xFFFFC000  }
0xd3: {  	v2 =	vld.msk [tilespmem:s22+$0xFFFFFFE0], $0xff;
	_ =	sdelay $0x4  }
0xd4: {  	v3 =	vshll.u32 v2, $0x4  }
0xd5: {  	v2 =	vand.u32 $0x7, v2;
	v3 =	vand.u32 $0xFFFFFF80, v3  }
0xd6: {  	v2 =	vor.u32 v2, v3  }
0xd7: {  	v2 =	vperm.xlane v2, v0;
	_ =	sdelay $0x1  }
0xd8: {  	v2 =	vadd.s32 v1, v2;
	_ =	sdelay $0x4  }
0xd9: {  	[tilespmem:s16], [sflag:$0x1] =	stream.indirect_vreg.gather [hbm4b:s2+s3], $0x80, v2, vm0, $0xb8;
	[tilespmem:$0x1C200] =	vst v63  }
0xda: {  	s28 =	simm.s32 $0xA00  }
0xdb: {  	[tilespmem:s28], [sflag:$0x1] =	stream.indirect_vreg.gather [hbm4b:s5+s3], $0x80, v2, vm0, $0xb8;
	[tilespmem:$0x1C200] =	vst v63  }
0xdc: {  	s28 =	simm.s32 $0x1200  }
0xdd: {  	[tilespmem:s28], [sflag:$0x1] =	stream.indirect_vreg.gather [hbm4b:s6+s3], $0x80, v2, vm0, $0xb8;
	[tilespmem:$0x1C200] =	vst v63  }
0xde: {  	s28 =	simm.s32 $0x1A00  }
0xdf: {  	[tilespmem:s28], [sflag:$0x1] =	stream.indirect_vreg.gather [hbm4b:s7+s3], $0x80, v2, vm0, $0xb8;
	[tilespmem:$0x1C200] =	vst v63  }
0xe0: {  	s28 =	simm.s32 $0x2200  }
0xe1: {  	[tilespmem:s28], [sflag:$0x1] =	stream.indirect_vreg.gather [hbm4b:s8+s3], $0x80, v2, vm0, $0xb8;
	[tilespmem:$0x1C200] =	vst v63  }
0xe2: {  	s28 =	simm.s32 $0x2A00  }
0xe3: {  	[tilespmem:s28], [sflag:$0x1] =	stream.indirect_vreg.gather [hbm4b:s9+s3], $0x80, v2, vm0, $0xb8;
	[tilespmem:$0x1C200] =	vst v63  }
0xe4: {  	s28 =	simm.s32 $0x3200  }
0xe5: {  	[tilespmem:s28], [sflag:$0x1] =	stream.indirect_vreg.gather [hbm4b:s10+s3], $0x80, v2, vm0, $0xb8;
	[tilespmem:$0x1C200] =	vst v63  }
0xe6: {  	s28 =	simm.s32 $0x3A00  }
0xe7: {  	[tilespmem:s28], [sflag:$0x1] =	stream.indirect_vreg.gather [hbm4b:s11+s3], $0x80, v2, vm0, $0xb8;
	[tilespmem:$0x1C200] =	vst v63  }
0xe8: {  	s1 =	sadd.s32 $0x1000, s1;
	s28 =	simm.s32 $0x8200  }
0xe9: {  	[hbm4b:s1+s3] =	stream.linear.scatter [tilespmem:s28], [sflag:$0xA], $0x4000, $0x38;
	[tilespmem:$0x1C200] =	vst v63  }
0xea: {  	_ =	swait.ge [sflag:s13], $0x4000  }
0xeb: {  	[sflag:s13] =	ssyncset.done $0x0  }
0xec: {  	[sflag:s13] =	ssyncadd.s32 $0xFFFFC000  }
0xed: {  	_ =	swait.ge [sflag:s14], $0x4000  }
0xee: {  	[sflag:s14] =	ssyncset.done $0x0  }
0xef: {  	p0 =	seq.s32 s23, $0x1C000;
	[sflag:s14] =	ssyncadd.s32 $0xFFFFC000  }
0xf0: {  	v2 =	vld.msk @!p0 [tilespmem:s22+$0xFFFFFFE8], $0xff;
	_ =	sdelay $0x4  }
0xf1: {  	v3 =	vshll.u32 @!p0 v2, $0x4  }
0xf2: {  	v4 =	vlaneseq.u32 @!p0;
	v2 =	vand.u32 @!p0 $0x7, v2;
	v3 =	vand.u32 @!p0 $0xFFFFFF80, v3  }
0xf3: {  	v2 =	vor.u32 @!p0 v2, v3;
	v3 =	vand.u32 @!p0 $0x7, v4;
	v4 =	vshrl.u32 @!p0 v4, $0x3  }
0xf4: {  	v2 =	vperm.xlane @!p0 v2, v3;
	v4 =	vmul.u32 @!p0 $0x8, v4;
	_ =	sdelay $0x1  }
0xf5: {  	v2 =	vadd.s32 @!p0 v4, v2;
	_ =	sdelay $0x3  }
0xf6: {  	vm1 =	vmmov @!p0 $0xffff;
	s25 =	simm.s32 @!p0 $0x4200;
	s1 =	simm.s32 @!p0 $0x0  }
0xf7: {  	[tilespmem:s25], [sflag:$0x2] =	stream.indirect_vreg.gather @!p0 [hbm4b:s2+s1], $0x80, v2, vm1, $0xb8;
	[tilespmem:$0x1C200] =	vst v63  }
0xf8: {  	s25 =	simm.s32 @!p0 $0x4A00  }
0xf9: {  	[tilespmem:s25], [sflag:$0x2] =	stream.indirect_vreg.gather @!p0 [hbm4b:s5+s1], $0x80, v2, vm1, $0xb8;
	[tilespmem:$0x1C200] =	vst v63  }
0xfa: {  	s25 =	simm.s32 @!p0 $0x5200  }
0xfb: {  	[tilespmem:s25], [sflag:$0x2] =	stream.indirect_vreg.gather @!p0 [hbm4b:s6+s1], $0x80, v2, vm1, $0xb8;
	[tilespmem:$0x1C200] =	vst v63  }
0xfc: {  	s25 =	simm.s32 @!p0 $0x5A00  }
0xfd: {  	[tilespmem:s25], [sflag:$0x2] =	stream.indirect_vreg.gather @!p0 [hbm4b:s7+s1], $0x80, v2, vm1, $0xb8;
	[tilespmem:$0x1C200] =	vst v63  }
0xfe: {  	s25 =	simm.s32 @!p0 $0x6200  }
0xff: {  	[tilespmem:s25], [sflag:$0x2] =	stream.indirect_vreg.gather @!p0 [hbm4b:s8+s1], $0x80, v2, vm1, $0xb8;
	[tilespmem:$0x1C200] =	vst v63  }
0x100: {  	s25 =	simm.s32 @!p0 $0x6A00  }
0x101: {  	[tilespmem:s25], [sflag:$0x2] =	stream.indirect_vreg.gather @!p0 [hbm4b:s9+s1], $0x80, v2, vm1, $0xb8;
	[tilespmem:$0x1C200] =	vst v63  }
0x102: {  	s25 =	simm.s32 @!p0 $0x7200  }
0x103: {  	[tilespmem:s25], [sflag:$0x2] =	stream.indirect_vreg.gather @!p0 [hbm4b:s10+s1], $0x80, v2, vm1, $0xb8;
	[tilespmem:$0x1C200] =	vst v63  }
0x104: {  	s25 =	simm.s32 @!p0 $0x7A00  }
0x105: {  	[tilespmem:s25], [sflag:$0x2] =	stream.indirect_vreg.gather @!p0 [hbm4b:s11+s1], $0x80, v2, vm1, $0xb8;
	[tilespmem:$0x1C200] =	vst v63  }
0x106: {  	s28 =	simm.s32 $0xC200;
	s25 =	sadd.s32 $0x1800, s24  }
0x107: {  	[hbm4b:s25+s3] =	stream.linear.scatter [tilespmem:s28], [sflag:$0xB], $0x4000, $0x38;
	[tilespmem:$0x1C200] =	vst v63  }
0x108: {  	_ =	swait.ge [sflag:s15], $0x4000  }
0x109: {  	[sflag:s15] =	ssyncset.done $0x0  }
0x10a: {  	[sflag:s15] =	ssyncadd.s32 $0xFFFFC000  }
0x10b: {  	_ =	swait.ge [sflag:s17], $0x4000  }
0x10c: {  	[sflag:s17] =	ssyncset.done $0x0  }
0x10d: {  	[sflag:s17] =	ssyncadd.s32 $0xFFFFC000  }
0x10e: {  	v2 =	vld.msk @!p0 [tilespmem:s22+$0xFFFFFFF0], $0xff;
	_ =	sdelay $0x4  }
0x10f: {  	v5 =	vshll.u32 @!p0 v2, $0x4  }
0x110: {  	v2 =	vand.u32 @!p0 $0x7, v2;
	v5 =	vand.u32 @!p0 $0xFFFFFF80, v5  }
0x111: {  	v2 =	vor.u32 @!p0 v2, v5  }
0x112: {  	v2 =	vperm.xlane @!p0 v2, v3;
	_ =	sdelay $0x1  }
0x113: {  	v2 =	vadd.s32 @!p0 v4, v2;
	_ =	sdelay $0x3  }
0x114: {  	s25 =	simm.s32 @!p0 $0x8200  }
0x115: {  	[tilespmem:s25], [sflag:$0x3] =	stream.indirect_vreg.gather @!p0 [hbm4b:s2+s1], $0x80, v2, vm1, $0xb8;
	[tilespmem:$0x1C200] =	vst v63  }
0x116: {  	s25 =	simm.s32 @!p0 $0x8A00  }
0x117: {  	[tilespmem:s25], [sflag:$0x3] =	stream.indirect_vreg.gather @!p0 [hbm4b:s5+s1], $0x80, v2, vm1, $0xb8;
	[tilespmem:$0x1C200] =	vst v63  }
0x118: {  	s25 =	simm.s32 @!p0 $0x9200  }
0x119: {  	[tilespmem:s25], [sflag:$0x3] =	stream.indirect_vreg.gather @!p0 [hbm4b:s6+s1], $0x80, v2, vm1, $0xb8;
	[tilespmem:$0x1C200] =	vst v63  }
0x11a: {  	s25 =	simm.s32 @!p0 $0x9A00  }
0x11b: {  	[tilespmem:s25], [sflag:$0x3] =	stream.indirect_vreg.gather @!p0 [hbm4b:s7+s1], $0x80, v2, vm1, $0xb8;
	[tilespmem:$0x1C200] =	vst v63  }
0x11c: {  	s25 =	simm.s32 @!p0 $0xA200  }
0x11d: {  	[tilespmem:s25], [sflag:$0x3] =	stream.indirect_vreg.gather @!p0 [hbm4b:s8+s1], $0x80, v2, vm1, $0xb8;
	[tilespmem:$0x1C200] =	vst v63  }
0x11e: {  	s25 =	simm.s32 @!p0 $0xAA00  }
0x11f: {  	[tilespmem:s25], [sflag:$0x3] =	stream.indirect_vreg.gather @!p0 [hbm4b:s9+s1], $0x80, v2, vm1, $0xb8;
	[tilespmem:$0x1C200] =	vst v63  }
0x120: {  	s25 =	simm.s32 @!p0 $0xB200  }
0x121: {  	[tilespmem:s25], [sflag:$0x3] =	stream.indirect_vreg.gather @!p0 [hbm4b:s10+s1], $0x80, v2, vm1, $0xb8;
	[tilespmem:$0x1C200] =	vst v63  }
0x122: {  	s25 =	simm.s32 @!p0 $0xBA00  }
0x123: {  	[tilespmem:s25], [sflag:$0x3] =	stream.indirect_vreg.gather @!p0 [hbm4b:s11+s1], $0x80, v2, vm1, $0xb8;
	[tilespmem:$0x1C200] =	vst v63  }
0x124: {  	s28 =	simm.s32 $0x10200;
	s25 =	sadd.s32 $0x2000, s24  }
0x125: {  	[hbm4b:s25+s3] =	stream.linear.scatter [tilespmem:s28], [sflag:$0xC], $0x4000, $0x38;
	[tilespmem:$0x1C200] =	vst v63  }
0x126: {  	_ =	swait.ge [sflag:s18], $0x4000  }
0x127: {  	[sflag:s18] =	ssyncset.done $0x0  }
0x128: {  	[sflag:s18] =	ssyncadd.s32 $0xFFFFC000  }
0x129: {  	_ =	swait.ge [sflag:s19], $0x4000  }
0x12a: {  	[sflag:s19] =	ssyncset.done $0x0  }
0x12b: {  	[sflag:s19] =	ssyncadd.s32 $0xFFFFC000  }
0x12c: {  	v2 =	vld.msk @!p0 [tilespmem:s22+$0xFFFFFFF8], $0xff;
	_ =	sdelay $0x4  }
0x12d: {  	v5 =	vshll.u32 @!p0 v2, $0x4  }
0x12e: {  	v2 =	vand.u32 @!p0 $0x7, v2;
	v5 =	vand.u32 @!p0 $0xFFFFFF80, v5  }
0x12f: {  	v2 =	vor.u32 @!p0 v2, v5  }
0x130: {  	v2 =	vperm.xlane @!p0 v2, v3;
	_ =	sdelay $0x1  }
0x131: {  	v2 =	vadd.s32 @!p0 v4, v2;
	_ =	sdelay $0x3  }
0x132: {  	s25 =	simm.s32 @!p0 $0xC200  }
0x133: {  	[tilespmem:s25], [sflag:$0x4] =	stream.indirect_vreg.gather @!p0 [hbm4b:s2+s1], $0x80, v2, vm1, $0xb8;
	[tilespmem:$0x1C200] =	vst v63  }
0x134: {  	s25 =	simm.s32 @!p0 $0xCA00  }
0x135: {  	[tilespmem:s25], [sflag:$0x4] =	stream.indirect_vreg.gather @!p0 [hbm4b:s5+s1], $0x80, v2, vm1, $0xb8;
	[tilespmem:$0x1C200] =	vst v63  }
0x136: {  	s25 =	simm.s32 @!p0 $0xD200  }
0x137: {  	[tilespmem:s25], [sflag:$0x4] =	stream.indirect_vreg.gather @!p0 [hbm4b:s6+s1], $0x80, v2, vm1, $0xb8;
	[tilespmem:$0x1C200] =	vst v63  }
0x138: {  	s25 =	simm.s32 @!p0 $0xDA00  }
0x139: {  	[tilespmem:s25], [sflag:$0x4] =	stream.indirect_vreg.gather @!p0 [hbm4b:s7+s1], $0x80, v2, vm1, $0xb8;
	[tilespmem:$0x1C200] =	vst v63  }
0x13a: {  	s25 =	simm.s32 @!p0 $0xE200  }
0x13b: {  	[tilespmem:s25], [sflag:$0x4] =	stream.indirect_vreg.gather @!p0 [hbm4b:s8+s1], $0x80, v2, vm1, $0xb8;
	[tilespmem:$0x1C200] =	vst v63  }
0x13c: {  	s25 =	simm.s32 @!p0 $0xEA00  }
0x13d: {  	[tilespmem:s25], [sflag:$0x4] =	stream.indirect_vreg.gather @!p0 [hbm4b:s9+s1], $0x80, v2, vm1, $0xb8;
	[tilespmem:$0x1C200] =	vst v63  }
0x13e: {  	s25 =	simm.s32 @!p0 $0xF200  }
0x13f: {  	[tilespmem:s25], [sflag:$0x4] =	stream.indirect_vreg.gather @!p0 [hbm4b:s10+s1], $0x80, v2, vm1, $0xb8;
	[tilespmem:$0x1C200] =	vst v63  }
0x140: {  	s25 =	simm.s32 @!p0 $0xFA00  }
0x141: {  	[tilespmem:s25], [sflag:$0x4] =	stream.indirect_vreg.gather @!p0 [hbm4b:s11+s1], $0x80, v2, vm1, $0xb8;
	[tilespmem:$0x1C200] =	vst v63  }
0x142: {  	s28 =	sadd.s32 $0x2800, s24  }
0x143: {  	[hbm4b:s28+s3] =	stream.linear.scatter [tilespmem:s0], [sflag:$0xD], $0x4000, $0x38;
	[tilespmem:$0x1C200] =	vst v63  }
0x144: {  	_ =	swait.ge [sflag:s20], $0x4000  }
0x145: {  	[sflag:s20] =	ssyncset.done $0x0  }
0x146: {  	[sflag:s20] =	ssyncadd.s32 $0xFFFFC000  }
0x147: {  	_ =	swait.ge [sflag:s21], $0x4000  }
0x148: {  	[sflag:s21] =	ssyncset.done $0x0  }
0x149: {  	[sflag:s21] =	ssyncadd.s32 $0xFFFFC000  }
0x14a: {  	v2 =	vld.msk @!p0 [tilespmem:s22+$0x0], $0xff;
	_ =	sdelay $0x4  }
0x14b: {  	v5 =	vshll.u32 @!p0 v2, $0x4  }
0x14c: {  	v2 =	vand.u32 @!p0 $0x7, v2;
	v5 =	vand.u32 @!p0 $0xFFFFFF80, v5  }
0x14d: {  	v2 =	vor.u32 @!p0 v2, v5  }
0x14e: {  	v2 =	vperm.xlane @!p0 v2, v3;
	_ =	sdelay $0x1  }
0x14f: {  	v2 =	vadd.s32 @!p0 v4, v2;
	_ =	sdelay $0x3  }
0x150: {  	s25 =	simm.s32 @!p0 $0x10200  }
0x151: {  	[tilespmem:s25], [sflag:$0x5] =	stream.indirect_vreg.gather @!p0 [hbm4b:s2+s1], $0x80, v2, vm1, $0xb8;
	[tilespmem:$0x1C200] =	vst v63  }
0x152: {  	s25 =	simm.s32 @!p0 $0x10A00  }
0x153: {  	[tilespmem:s25], [sflag:$0x5] =	stream.indirect_vreg.gather @!p0 [hbm4b:s5+s1], $0x80, v2, vm1, $0xb8;
	[tilespmem:$0x1C200] =	vst v63  }
0x154: {  	s25 =	simm.s32 @!p0 $0x11200  }
0x155: {  	[tilespmem:s25], [sflag:$0x5] =	stream.indirect_vreg.gather @!p0 [hbm4b:s6+s1], $0x80, v2, vm1, $0xb8;
	[tilespmem:$0x1C200] =	vst v63  }
0x156: {  	s25 =	simm.s32 @!p0 $0x11A00  }
0x157: {  	[tilespmem:s25], [sflag:$0x5] =	stream.indirect_vreg.gather @!p0 [hbm4b:s7+s1], $0x80, v2, vm1, $0xb8;
	[tilespmem:$0x1C200] =	vst v63  }
0x158: {  	s25 =	simm.s32 @!p0 $0x12200  }
0x159: {  	[tilespmem:s25], [sflag:$0x5] =	stream.indirect_vreg.gather @!p0 [hbm4b:s8+s1], $0x80, v2, vm1, $0xb8;
	[tilespmem:$0x1C200] =	vst v63  }
0x15a: {  	s25 =	simm.s32 @!p0 $0x12A00  }
0x15b: {  	[tilespmem:s25], [sflag:$0x5] =	stream.indirect_vreg.gather @!p0 [hbm4b:s9+s1], $0x80, v2, vm1, $0xb8;
	[tilespmem:$0x1C200] =	vst v63  }
0x15c: {  	s25 =	simm.s32 @!p0 $0x13200  }
0x15d: {  	[tilespmem:s25], [sflag:$0x5] =	stream.indirect_vreg.gather @!p0 [hbm4b:s10+s1], $0x80, v2, vm1, $0xb8;
	[tilespmem:$0x1C200] =	vst v63  }
0x15e: {  	s23 =	sadd.s32 $0x3800, s23;
	s25 =	simm.s32 @!p0 $0x13A00  }
0x15f: {  	[tilespmem:s25], [sflag:$0x5] =	stream.indirect_vreg.gather @!p0 [hbm4b:s11+s1], $0x80, v2, vm1, $0xb8;
	[tilespmem:$0x1C200] =	vst v63  }
0x160: {  	p0 =	sne.s32 s23, $0x1F800  }
.Ltmp0:
0x161: {  	_ = 	snop;
	(pc) =	sbr.rel @p0 .LBB2_2-.Ltmp0, $3  }
0x162: {  	_ =	sdelay $0x1  }
0x163: {  	s28 =	sadd.s32 $0x3000, s24;
	s22 =	sadd.s32 $0x38, s22  }
0x164: {  	[hbm4b:s28+s3] =	stream.linear.scatter [tilespmem:s29], [sflag:$0xE], $0x4000, $0x38;
	[tilespmem:$0x1C200] =	vst v63  }
0x165: {  	_ =	swait.ge [sflag:s31], $0x4000  }
0x166: {  	[sflag:s31] =	ssyncset.done $0x0  }
0x167: {  	s1 =	simm.s32 $0xD;
	[sflag:s31] =	ssyncadd.s32 $0xFFFFC000  }
0x168: {  	_ =	swait.ge [sflag:s1], $0x4000  }
0x169: {  	[sflag:s1] =	ssyncset.done $0x0  }
0x16a: {  	s24 =	simm.s32 $0xE;
	s23 =	rddreg [dreg:$0x14];
	[sflag:s1] =	ssyncadd.s32 $0xFFFFC000  }
0x16b: {  	[hbm4b:s23+s3] =	stream.linear.scatter [tilespmem:s16], [sflag:$0x8], $0x4000, $0x38;
	[tilespmem:$0x1C200] =	vst v63  }
0x16c: {  	_ =	swait.ge [sflag:s24], $0x4000  }
0x16d: {  	[sflag:s24] =	ssyncset.done $0x0  }
0x16e: {  	[sflag:s24] =	ssyncadd.s32 $0xFFFFC000  }
0x16f: {  	_ =	swait.ge [sflag:s4], $0x4000  }
0x170: {  	s22 =	rddreg [dreg:$0x16]  }
0x171: {  	s25 =	rddreg [dreg:$0x15];
	s22 =	sadd.s32 $0x1, s22  }
0x172: {  	p0 =	sne.s32 s22, s25  }
.Ltmp1:
0x173: {  	_ = 	snop;
	(pc) =	sbr.rel @p0 .LBB2_1-.Ltmp1, $4  }
0x174: {  	_ = 	snop  }
0x175: {  	s28 =	simm.s32 $0x2A00;
	[sflag:s4] =	ssyncset.done $0x0  }
0x176: {  	s23 =	simm.s32 $0x1200;
	s24 =	simm.s32 $0x1A00;
	[sflag:s4] =	ssyncadd.s32 $0xFFFFC000  }
0x177: {  	[dreg:$0x16] =	wrdreg s22;
	s22 =	simm.s32 $0xA00;
	s25 =	simm.s32 $0x2200  }
0x178: {  	_ =	sfence.sel $0x180000  }
0x179: {  	[bflag:$0x0] =	sbarrier.arrive $0xFFFF  }
0x17a: {  	_ =	strace $0x90000047  }
0x17b: {  	s0 =	stileid.u32;
	[bflag:$0x2] =	sbarrier.arrive $0xFFFF  }
0x17c: {  	p0 =	sne.s32 s0, $0x0;
	s0 =	rddreg [dreg:$0x3]  }
0x17d: {  	s0 =	sadd.s32 @!p0 $0x100000, s0  }
0x17e: {  	[sflag:s0] =	ssyncadd.tile.s32 @!p0 $0x1;
	_ =	shalt  }
.Lfunc_end2:
_tile_overlayer_lowered:
.L_overlay_start_2:
0x17f: {  	(tag) =	ssettag $0x2  }
0x180: {  	s0 =	rddreg [dreg:$0x0];
	s2 =	stileid.u32  }
0x181: {  	s1 =	rddreg [dreg:$0x1];
	p0 =	sne.s32 s2, $0x0  }
0x182: {  	s3 =	rddreg [dreg:$0x2];
	[bflag:$0x3] =	sbarrier.arrive $0xFFFF;
	s2 =	simm.s32 @!p0 $0x1C0F  }
0x183: {  	[timem:s3], [sflag:s2] =	dma.local @!p0 [hbm:s0], s1  }
0x184: {  	s0 =	simm.s32 @!p0 $0xF  }
0x185: {  	_ =	swait.ge @!p0 [sflag:s0], s1  }
0x186: {  	s1 =	ssub.s32 @!p0 $0x0, s1;
	[sflag:s0] =	ssyncset.done @!p0 $0x0  }
0x187: {  	[sflag:s0] =	ssyncadd.s32 @!p0 s1  }
0x188: {  	[bflag:$0x3] =	sbarrier.arrive $0xFFFF  }
0x189: {  	_ =	shalt  }

</sc_bundles>
